<compile_context>
chip_gen: v7x
topology: tpu7x:2x2x1
jax: 0.10.2.dev20260603
libtpu: 0.0.44.dev20260713+nightly
codegen_flags: <defaults>
</compile_context>

<pallas_src>
import functools

import jax
import jax.numpy as jnp
from jax.experimental import pallas as pl
from jax.experimental.pallas import tpu as pltpu

N_NODES = 10000
NODE_DIM = 128
PAIR_DIM = 64


def _down_body(x_ref, w_ref, b_ref, o_ref):
    o_ref[...] = (
        jnp.dot(x_ref[...], w_ref[...], preferred_element_type=jnp.float32)
        + b_ref[...][None, :]
    )


def _down(x, w, b):
    return pl.pallas_call(
        _down_body,
        out_shape=jax.ShapeDtypeStruct((x.shape[0], w.shape[1]), jnp.float32),
    )(x, w, b)


def _tail_body(xb_ref, _xb_ref, sb_ref, up0w, up0b, up1w, uphw, nl0w, nl0b,
               lng, lnb, nl1w, nl1b, o_ref):
    _xb = _xb_ref[...]
    sb = sb_ref[...]
    pd = PAIR_DIM
    l0n = (
        jnp.dot(_xb * sb[:, :pd], up0w[...], preferred_element_type=jnp.float32)
        + up0b[...][None, :]
    )
    l1n = 0.0
    lhn = 0.0
    for a in range(3):
        t = jnp.dot(_xb * sb[:, pd * (1 + a) : pd * (2 + a)], up1w[...],
                    preferred_element_type=jnp.float32)
        l1n = l1n + t * t
        t = jnp.dot(_xb * sb[:, pd * (4 + a) : pd * (5 + a)], uphw[...],
                    preferred_element_type=jnp.float32)
        lhn = lhn + t * t
    w = nl0w[...]
    h = (
        jnp.dot(l0n, w[:NODE_DIM], preferred_element_type=jnp.float32)
        + jnp.dot(l1n, w[NODE_DIM : 2 * NODE_DIM], preferred_element_type=jnp.float32)
        + jnp.dot(lhn, w[2 * NODE_DIM :], preferred_element_type=jnp.float32)
        + nl0b[...][None, :]
    )
    mu = jnp.mean(h, axis=-1, keepdims=True)
    var = jnp.mean(jnp.square(h - mu), axis=-1, keepdims=True)
    h = (h - mu) * jax.lax.rsqrt(var + 1e-5) * lng[...][None, :] + lnb[...][None, :]
    h = h * jax.nn.sigmoid(h)
    h = jnp.dot(h, nl1w[...], preferred_element_type=jnp.float32) + nl1b[...][None, :]
    o_ref[...] = h + xb_ref[...]


def _tail(x, _x, S, up0w, up0b, up1w, uphw, nl0w, nl0b, lng, lnb, nl1w, nl1b):
    nb = 2000
    grid = (N_NODES // nb,)
    row_block = lambda d: pl.BlockSpec((nb, d), lambda g: (g, 0))
    full = lambda *shape: pl.BlockSpec(shape, lambda g: tuple(0 for _ in shape))
    return pl.pallas_call(
        _tail_body,
        grid=grid,
        in_specs=[
            row_block(NODE_DIM),
            row_block(PAIR_DIM),
            row_block(7 * PAIR_DIM),
            full(PAIR_DIM, 2 * PAIR_DIM),
            full(2 * PAIR_DIM),
            full(PAIR_DIM, 2 * PAIR_DIM),
            full(PAIR_DIM, 2 * PAIR_DIM),
            full(6 * PAIR_DIM, NODE_DIM),
            full(NODE_DIM),
            full(NODE_DIM),
            full(NODE_DIM),
            full(NODE_DIM, NODE_DIM),
            full(NODE_DIM),
        ],
        out_specs=row_block(NODE_DIM),
        out_shape=jax.ShapeDtypeStruct((N_NODES, NODE_DIM), jnp.float32),
    )(x, _x, S, up0w, up0b, up1w, uphw, nl0w, nl0b, lng, lnb, nl1w, nl1b)


def _edge_phase_jax(_x, j, i, rbf_r, factor_r, sph_v):
    E = j.shape[0]
    x_j = jnp.take(_x, j, axis=0)
    l0 = x_j * rbf_r * factor_r
    coef = jnp.concatenate(
        [jnp.ones((E, 1), jnp.float32), sph_v[1, :, :, 0], sph_v[0, :, :, 0]],
        axis=1,
    )
    upd = (coef[:, :, None] * l0[:, None, :]).reshape(E, 7 * PAIR_DIM)
    return jax.ops.segment_sum(upd, i, num_segments=N_NODES)


def kernel(x, j, i, rbf_r, factor_r, sph_v, x_down_W, x_down_b, x_up0_W,
           x_up0_b, x_up1_W, x_uph_W, nl0_W, nl0_b, ln_g, ln_b, nl1_W, nl1_b):
    _x = _down(x, x_down_W, x_down_b)
    S = _edge_phase_jax(_x, j.astype(jnp.int32), i, rbf_r, factor_r, sph_v)
    return _tail(x, _x, S, x_up0_W, x_up0_b, x_up1_W, x_uph_W, nl0_W, nl0_b,
                 ln_g, ln_b, nl1_W, nl1_b)

# --- scband reference (transcript-rebuilt; emitter-appended) ---
"""Pipeline reference for scband-sph-conv3-62904091017705 (READ-ONLY COPY).

The authoritative reference and input builder live on the scoring server;
editing this copy changes nothing except your own understanding.
"""

import jax, jax.numpy as jnp
import numpy as np

N_NODES = 10000
N_EDGES = 320000
NODE_DIM = 128
PAIR_DIM = 64


def setup_inputs(seed: int = 0) -> dict:
    key = jax.random.key(seed)
    ks = jax.random.split(key, 16)
    inp = {}
    inp["x"] = jax.random.normal(ks[0], (N_NODES, NODE_DIM), dtype=jnp.float32)
    inp["j"] = jax.random.randint(ks[1], (N_EDGES,), 0, N_NODES, dtype=jnp.int64) if jax.config.jax_enable_x64 else jax.random.randint(ks[1], (N_EDGES,), 0, N_NODES, dtype=jnp.int32)
    inp["i"] = jax.random.randint(ks[2], (N_EDGES,), 0, N_NODES, dtype=jnp.int32)
    inp["rbf_r"] = jax.random.uniform(ks[3], (N_EDGES, PAIR_DIM), dtype=jnp.float32)
    inp["factor_r"] = jax.random.uniform(ks[4], (N_EDGES, 1), dtype=jnp.float32)
    inp["sph_v"] = jax.random.normal(ks[5], (2, N_EDGES, 3, 1), dtype=jnp.float32)
    # parameters (stored as [in, out] for x @ W + b)
    def lin(k, fan_in, fan_out):
        bound = 1.0 / np.sqrt(fan_in)
        return jax.random.uniform(k, (fan_in, fan_out), dtype=jnp.float32, minval=-bound, maxval=bound)
    inp["x_down_W"] = lin(ks[6], NODE_DIM, PAIR_DIM)
    inp["x_down_b"] = jnp.zeros((PAIR_DIM,), dtype=jnp.float32)
    inp["x_up0_W"] = lin(ks[7], PAIR_DIM, PAIR_DIM * 2)
    inp["x_up0_b"] = jnp.zeros((PAIR_DIM * 2,), dtype=jnp.float32)
    inp["x_up1_W"] = lin(ks[8], PAIR_DIM, PAIR_DIM * 2)
    inp["x_uph_W"] = lin(ks[9], PAIR_DIM, PAIR_DIM * 2)
    inp["nl0_W"] = lin(ks[10], PAIR_DIM * 6, NODE_DIM)
    inp["nl0_b"] = jnp.zeros((NODE_DIM,), dtype=jnp.float32)
    inp["ln_g"] = jnp.ones((NODE_DIM,), dtype=jnp.float32)
    inp["ln_b"] = jnp.zeros((NODE_DIM,), dtype=jnp.float32)
    inp["nl1_W"] = lin(ks[11], NODE_DIM, NODE_DIM)
    inp["nl1_b"] = jnp.zeros((NODE_DIM,), dtype=jnp.float32)
    return inp


def reference(x, j, i, rbf_r, factor_r, sph_v, x_down_W, x_down_b, x_up0_W, x_up0_b,
              x_up1_W, x_uph_W, nl0_W, nl0_b, ln_g, ln_b, nl1_W, nl1_b):
    N = x.shape[0]
    _x = x @ x_down_W + x_down_b                       # [N, pd]
    x_j = jnp.take(_x, j, axis=0)                       # gather [E, pd]
    l0_pair = x_j * rbf_r * factor_r                    # [E, pd]
    l1_pair = l0_pair[:, None, :] * sph_v[1]            # [E, 3, pd]
    lh_pair = l0_pair[:, None, :] * sph_v[0]            # [E, 3, pd]
    s0 = jax.ops.segment_sum(l0_pair, i, num_segments=N)  # scatter-add [N, pd]
    s1 = jax.ops.segment_sum(l1_pair, i, num_segments=N)  # [N, 3, pd]
    sh = jax.ops.segment_sum(lh_pair, i, num_segments=N)  # [N, 3, pd]
    l0_node = (_x * s0) @ x_up0_W + x_up0_b            # [N, 2pd]
    l1_node = (_x[:, None, :] * s1) @ x_up1_W          # [N, 3, 2pd]
    lh_node = (_x[:, None, :] * sh) @ x_uph_W          # [N, 3, 2pd]
    l1_node = jnp.sum(jnp.square(l1_node), axis=1)     # [N, 2pd]
    lh_node = jnp.sum(jnp.square(lh_node), axis=1)     # [N, 2pd]
    node = jnp.concatenate([l0_node, l1_node, lh_node], axis=-1)  # [N, 6pd]
    h = node @ nl0_W + nl0_b
    mu = jnp.mean(h, axis=-1, keepdims=True)
    var = jnp.var(h, axis=-1, keepdims=True)
    h = (h - mu) / jnp.sqrt(var + 1e-5) * ln_g + ln_b
    h = h * jax.nn.sigmoid(h)  # SiLU
    h = h @ nl1_W + nl1_b       # dropout p=0.0 -> identity
    return h + x

if __name__ == "__main__":
    import jax
    _d = setup_inputs()
    print(jax.jit(kernel)(*tuple(_d.values())))

</pallas_src>

<mosaic_0001>
module attributes {stable_mosaic.version = 14 : i64} {
  func.func @_down_body(%arg0: memref<10000x128xf32, #tpu.memory_space<vmem>>, %arg1: memref<128x64xf32, #tpu.memory_space<vmem>>, %arg2: memref<64xf32, #tpu.memory_space<vmem>>, %arg3: memref<10000x64xf32, #tpu.memory_space<vmem>>) attributes {dimension_semantics = [], scalar_prefetch = 0 : i64, scratch_operands = 0 : i64, tpu.core_type = #tpu.core_type<tc>} {
    %get3A = arith.constant 0 : index
    %get3A_0 = arith.constant 0 : index
    %get3A_1 = vector.load %arg0[%get3A, %get3A_0] : memref<10000x128xf32, #tpu.memory_space<vmem>>, vector<10000x128xf32>
    %get3A_2 = arith.constant 0 : index
    %get3A_3 = arith.constant 0 : index
    %get3A_4 = vector.load %arg1[%get3A_2, %get3A_3] : memref<128x64xf32, #tpu.memory_space<vmem>>, vector<128x64xf32>
    %dot_general3A = arith.constant dense<0.000000e+00> : vector<10000x64xf32>
    %dot_general3A_5 = tpu.matmul %get3A_1, %get3A_4, %dot_general3A {dimension_numbers = #tpu.dot_dimension_numbers<[1], [0], [0], [1], [0, 0, 1, 1], [], []>, transpose_lhs_hint = false} : vector<10000x128xf32>, vector<128x64xf32>, vector<10000x64xf32> -> vector<10000x64xf32>
    %get3A_6 = arith.constant 0 : index
    %get3A_7 = vector.load %arg2[%get3A_6] : memref<64xf32, #tpu.memory_space<vmem>>, vector<64xf32>
    %broadcast_in_dim3A = vector.shape_cast %get3A_7 : vector<64xf32> to vector<1x64xf32>
    %add3A = vector.broadcast %broadcast_in_dim3A : vector<1x64xf32> to vector<10000x64xf32>
    %add3A_8 = arith.addf %dot_general3A_5, %add3A : vector<10000x64xf32>
    %swap3A = arith.constant 0 : index
    %swap3A_9 = arith.constant 0 : index
    %swap3A_10 = vector.load %arg3[%swap3A, %swap3A_9] : memref<10000x64xf32, #tpu.memory_space<vmem>>, vector<10000x64xf32>
    tpu.vector_store %arg3[%swap3A, %swap3A_9], %add3A_8 {strides = array<i32>} : memref<10000x64xf32, #tpu.memory_space<vmem>>, vector<10000x64xf32>,
    return
  }
}

module attributes {stable_mosaic.version = 14 : i64} {
  func.func @_tail_body(%arg0: i32, %arg1: memref<2000x128xf32, #tpu.memory_space<vmem>>, %arg2: memref<2000x64xf32, #tpu.memory_space<vmem>>, %arg3: memref<2000x448xf32, #tpu.memory_space<vmem>>, %arg4: memref<64x128xf32, #tpu.memory_space<vmem>>, %arg5: memref<128xf32, #tpu.memory_space<vmem>>, %arg6: memref<64x128xf32, #tpu.memory_space<vmem>>, %arg7: memref<64x128xf32, #tpu.memory_space<vmem>>, %arg8: memref<384x128xf32, #tpu.memory_space<vmem>>, %arg9: memref<128xf32, #tpu.memory_space<vmem>>, %arg10: memref<128xf32, #tpu.memory_space<vmem>>, %arg11: memref<128xf32, #tpu.memory_space<vmem>>, %arg12: memref<128x128xf32, #tpu.memory_space<vmem>>, %arg13: memref<128xf32, #tpu.memory_space<vmem>>, %arg14: memref<2000x128xf32, #tpu.memory_space<vmem>>) attributes {dimension_semantics = [#tpu.dimension_semantics<arbitrary>], iteration_bounds = array<i64: 5>, scalar_prefetch = 0 : i64, scratch_operands = 0 : i64, tpu.core_type = #tpu.core_type<tc>, window_params = [{transform_indices = @transform_0, window_bounds = array<i64: 2000, 128>}, {transform_indices = @transform_1, window_bounds = array<i64: 2000, 64>}, {transform_indices = @transform_2, window_bounds = array<i64: 2000, 448>}, {pipeline_mode = #tpu.pipeline_mode<synchronous>, transform_indices = @transform_3, window_bounds = array<i64: 64, 128>}, {pipeline_mode = #tpu.pipeline_mode<synchronous>, transform_indices = @transform_4, window_bounds = array<i64: 128>}, {pipeline_mode = #tpu.pipeline_mode<synchronous>, transform_indices = @transform_5, window_bounds = array<i64: 64, 128>}, {pipeline_mode = #tpu.pipeline_mode<synchronous>, transform_indices = @transform_6, window_bounds = array<i64: 64, 128>}, {pipeline_mode = #tpu.pipeline_mode<synchronous>, transform_indices = @transform_7, window_bounds = array<i64: 384, 128>}, {pipeline_mode = #tpu.pipeline_mode<synchronous>, transform_indices = @transform_8, window_bounds = array<i64: 128>}, {pipeline_mode = #tpu.pipeline_mode<synchronous>, transform_indices = @transform_9, window_bounds = array<i64: 128>}, {pipeline_mode = #tpu.pipeline_mode<synchronous>, transform_indices = @transform_10, window_bounds = array<i64: 128>}, {pipeline_mode = #tpu.pipeline_mode<synchronous>, transform_indices = @transform_11, window_bounds = array<i64: 128, 128>}, {pipeline_mode = #tpu.pipeline_mode<synchronous>, transform_indices = @transform_12, window_bounds = array<i64: 128>}, {transform_indices = @transform_13, window_bounds = array<i64: 2000, 128>}]} {
    %get3A = arith.constant 0 : index
    %get3A_0 = arith.constant 0 : index
    %get3A_1 = vector.load %arg2[%get3A, %get3A_0] : memref<2000x64xf32, #tpu.memory_space<vmem>>, vector<2000x64xf32>
    %get3A_2 = arith.constant 0 : index
    %get3A_3 = arith.constant 0 : index
    %get3A_4 = vector.load %arg3[%get3A_2, %get3A_3] : memref<2000x448xf32, #tpu.memory_space<vmem>>, vector<2000x448xf32>
    %slice3A = vector.extract_strided_slice %get3A_4 {offsets = [0, 0], sizes = [2000, 64], strides = [1, 1]} : vector<2000x448xf32> to vector<2000x64xf32>
    %mul3A = arith.mulf %get3A_1, %slice3A : vector<2000x64xf32>
    %get3A_5 = arith.constant 0 : index
    %get3A_6 = arith.constant 0 : index
    %get3A_7 = vector.load %arg4[%get3A_5, %get3A_6] : memref<64x128xf32, #tpu.memory_space<vmem>>, vector<64x128xf32>
    %dot_general3A = arith.constant dense<0.000000e+00> : vector<2000x128xf32>
    %dot_general3A_8 = tpu.matmul %mul3A, %get3A_7, %dot_general3A {dimension_numbers = #tpu.dot_dimension_numbers<[1], [0], [0], [1], [0, 0, 1, 1], [], []>, transpose_lhs_hint = false} : vector<2000x64xf32>, vector<64x128xf32>, vector<2000x128xf32> -> vector<2000x128xf32>
    %get3A_9 = arith.constant 0 : index
    %get3A_10 = vector.load %arg5[%get3A_9] : memref<128xf32, #tpu.memory_space<vmem>>, vector<128xf32>
    %broadcast_in_dim3A = vector.shape_cast %get3A_10 : vector<128xf32> to vector<1x128xf32>
    %add3A = vector.broadcast %broadcast_in_dim3A : vector<1x128xf32> to vector<2000x128xf32>
    %add3A_11 = arith.addf %dot_general3A_8, %add3A : vector<2000x128xf32>
    %slice3A_12 = vector.extract_strided_slice %get3A_4 {offsets = [0, 64], sizes = [2000, 64], strides = [1, 1]} : vector<2000x448xf32> to vector<2000x64xf32>
    %mul3A_13 = arith.mulf %get3A_1, %slice3A_12 : vector<2000x64xf32>
    %get3A_14 = arith.constant 0 : index
    %get3A_15 = arith.constant 0 : index
    %get3A_16 = vector.load %arg6[%get3A_14, %get3A_15] : memref<64x128xf32, #tpu.memory_space<vmem>>, vector<64x128xf32>
    %dot_general3A_17 = arith.constant dense<0.000000e+00> : vector<2000x128xf32>
    %dot_general3A_18 = tpu.matmul %mul3A_13, %get3A_16, %dot_general3A_17 {dimension_numbers = #tpu.dot_dimension_numbers<[1], [0], [0], [1], [0, 0, 1, 1], [], []>, transpose_lhs_hint = false} : vector<2000x64xf32>, vector<64x128xf32>, vector<2000x128xf32> -> vector<2000x128xf32>
    %mul3A_19 = arith.mulf %dot_general3A_18, %dot_general3A_18 : vector<2000x128xf32>
    %add3A_20 = arith.constant 0.000000e+00 : f32
    %add3A_21 = vector.broadcast %add3A_20 : f32 to vector<2000x128xf32>
    %add3A_22 = arith.addf %add3A_21, %mul3A_19 : vector<2000x128xf32>
    %slice3A_23 = vector.extract_strided_slice %get3A_4 {offsets = [0, 256], sizes = [2000, 64], strides = [1, 1]} : vector<2000x448xf32> to vector<2000x64xf32>
    %mul3A_24 = arith.mulf %get3A_1, %slice3A_23 : vector<2000x64xf32>
    %get3A_25 = arith.constant 0 : index
    %get3A_26 = arith.constant 0 : index
    %get3A_27 = vector.load %arg7[%get3A_25, %get3A_26] : memref<64x128xf32, #tpu.memory_space<vmem>>, vector<64x128xf32>
    %dot_general3A_28 = arith.constant dense<0.000000e+00> : vector<2000x128xf32>
    %dot_general3A_29 = tpu.matmul %mul3A_24, %get3A_27, %dot_general3A_28 {dimension_numbers = #tpu.dot_dimension_numbers<[1], [0], [0], [1], [0, 0, 1, 1], [], []>, transpose_lhs_hint = false} : vector<2000x64xf32>, vector<64x128xf32>, vector<2000x128xf32> -> vector<2000x128xf32>
    %mul3A_30 = arith.mulf %dot_general3A_29, %dot_general3A_29 : vector<2000x128xf32>
    %add3A_31 = arith.constant 0.000000e+00 : f32
    %add3A_32 = vector.broadcast %add3A_31 : f32 to vector<2000x128xf32>
    %add3A_33 = arith.addf %add3A_32, %mul3A_30 : vector<2000x128xf32>
    %slice3A_34 = vector.extract_strided_slice %get3A_4 {offsets = [0, 128], sizes = [2000, 64], strides = [1, 1]} : vector<2000x448xf32> to vector<2000x64xf32>
    %mul3A_35 = arith.mulf %get3A_1, %slice3A_34 : vector<2000x64xf32>
    %get3A_36 = arith.constant 0 : index
    %get3A_37 = arith.constant 0 : index
    %get3A_38 = vector.load %arg6[%get3A_36, %get3A_37] : memref<64x128xf32, #tpu.memory_space<vmem>>, vector<64x128xf32>
    %dot_general3A_39 = arith.constant dense<0.000000e+00> : vector<2000x128xf32>
    %dot_general3A_40 = tpu.matmul %mul3A_35, %get3A_38, %dot_general3A_39 {dimension_numbers = #tpu.dot_dimension_numbers<[1], [0], [0], [1], [0, 0, 1, 1], [], []>, transpose_lhs_hint = false} : vector<2000x64xf32>, vector<64x128xf32>, vector<2000x128xf32> -> vector<2000x128xf32>
    %mul3A_41 = arith.mulf %dot_general3A_40, %dot_general3A_40 : vector<2000x128xf32>
    %add3A_42 = arith.addf %add3A_22, %mul3A_41 : vector<2000x128xf32>
    %slice3A_43 = vector.extract_strided_slice %get3A_4 {offsets = [0, 320], sizes = [2000, 64], strides = [1, 1]} : vector<2000x448xf32> to vector<2000x64xf32>
    %mul3A_44 = arith.mulf %get3A_1, %slice3A_43 : vector<2000x64xf32>
    %get3A_45 = arith.constant 0 : index
    %get3A_46 = arith.constant 0 : index
    %get3A_47 = vector.load %arg7[%get3A_45, %get3A_46] : memref<64x128xf32, #tpu.memory_space<vmem>>, vector<64x128xf32>
    %dot_general3A_48 = arith.constant dense<0.000000e+00> : vector<2000x128xf32>
    %dot_general3A_49 = tpu.matmul %mul3A_44, %get3A_47, %dot_general3A_48 {dimension_numbers = #tpu.dot_dimension_numbers<[1], [0], [0], [1], [0, 0, 1, 1], [], []>, transpose_lhs_hint = false} : vector<2000x64xf32>, vector<64x128xf32>, vector<2000x128xf32> -> vector<2000x128xf32>
    %mul3A_50 = arith.mulf %dot_general3A_49, %dot_general3A_49 : vector<2000x128xf32>
    %add3A_51 = arith.addf %add3A_33, %mul3A_50 : vector<2000x128xf32>
    %slice3A_52 = vector.extract_strided_slice %get3A_4 {offsets = [0, 192], sizes = [2000, 64], strides = [1, 1]} : vector<2000x448xf32> to vector<2000x64xf32>
    %mul3A_53 = arith.mulf %get3A_1, %slice3A_52 : vector<2000x64xf32>
    %get3A_54 = arith.constant 0 : index
    %get3A_55 = arith.constant 0 : index
    %get3A_56 = vector.load %arg6[%get3A_54, %get3A_55] : memref<64x128xf32, #tpu.memory_space<vmem>>, vector<64x128xf32>
    %dot_general3A_57 = arith.constant dense<0.000000e+00> : vector<2000x128xf32>
    %dot_general3A_58 = tpu.matmul %mul3A_53, %get3A_56, %dot_general3A_57 {dimension_numbers = #tpu.dot_dimension_numbers<[1], [0], [0], [1], [0, 0, 1, 1], [], []>, transpose_lhs_hint = false} : vector<2000x64xf32>, vector<64x128xf32>, vector<2000x128xf32> -> vector<2000x128xf32>
    %mul3A_59 = arith.mulf %dot_general3A_58, %dot_general3A_58 : vector<2000x128xf32>
    %add3A_60 = arith.addf %add3A_42, %mul3A_59 : vector<2000x128xf32>
    %slice3A_61 = vector.extract_strided_slice %get3A_4 {offsets = [0, 384], sizes = [2000, 64], strides = [1, 1]} : vector<2000x448xf32> to vector<2000x64xf32>
    %mul3A_62 = arith.mulf %get3A_1, %slice3A_61 : vector<2000x64xf32>
    %get3A_63 = arith.constant 0 : index
    %get3A_64 = arith.constant 0 : index
    %get3A_65 = vector.load %arg7[%get3A_63, %get3A_64] : memref<64x128xf32, #tpu.memory_space<vmem>>, vector<64x128xf32>
    %dot_general3A_66 = arith.constant dense<0.000000e+00> : vector<2000x128xf32>
    %dot_general3A_67 = tpu.matmul %mul3A_62, %get3A_65, %dot_general3A_66 {dimension_numbers = #tpu.dot_dimension_numbers<[1], [0], [0], [1], [0, 0, 1, 1], [], []>, transpose_lhs_hint = false} : vector<2000x64xf32>, vector<64x128xf32>, vector<2000x128xf32> -> vector<2000x128xf32>
    %mul3A_68 = arith.mulf %dot_general3A_67, %dot_general3A_67 : vector<2000x128xf32>
    %add3A_69 = arith.addf %add3A_51, %mul3A_68 : vector<2000x128xf32>
    %get3A_70 = arith.constant 0 : index
    %get3A_71 = arith.constant 0 : index
    %get3A_72 = vector.load %arg8[%get3A_70, %get3A_71] : memref<384x128xf32, #tpu.memory_space<vmem>>, vector<384x128xf32>
    %slice3A_73 = vector.extract_strided_slice %get3A_72 {offsets = [0, 0], sizes = [128, 128], strides = [1, 1]} : vector<384x128xf32> to vector<128x128xf32>
    %dot_general3A_74 = arith.constant dense<0.000000e+00> : vector<2000x128xf32>
    %dot_general3A_75 = tpu.matmul %add3A_11, %slice3A_73, %dot_general3A_74 {dimension_numbers = #tpu.dot_dimension_numbers<[1], [0], [0], [1], [0, 0, 1, 1], [], []>, transpose_lhs_hint = false} : vector<2000x128xf32>, vector<128x128xf32>, vector<2000x128xf32> -> vector<2000x128xf32>
    %slice3A_76 = vector.extract_strided_slice %get3A_72 {offsets = [128, 0], sizes = [128, 128], strides = [1, 1]} : vector<384x128xf32> to vector<128x128xf32>
    %dot_general3A_77 = arith.constant dense<0.000000e+00> : vector<2000x128xf32>
    %dot_general3A_78 = tpu.matmul %add3A_60, %slice3A_76, %dot_general3A_77 {dimension_numbers = #tpu.dot_dimension_numbers<[1], [0], [0], [1], [0, 0, 1, 1], [], []>, transpose_lhs_hint = false} : vector<2000x128xf32>, vector<128x128xf32>, vector<2000x128xf32> -> vector<2000x128xf32>
    %add3A_79 = arith.addf %dot_general3A_75, %dot_general3A_78 : vector<2000x128xf32>
    %slice3A_80 = vector.extract_strided_slice %get3A_72 {offsets = [256, 0], sizes = [128, 128], strides = [1, 1]} : vector<384x128xf32> to vector<128x128xf32>
    %dot_general3A_81 = arith.constant dense<0.000000e+00> : vector<2000x128xf32>
    %dot_general3A_82 = tpu.matmul %add3A_69, %slice3A_80, %dot_general3A_81 {dimension_numbers = #tpu.dot_dimension_numbers<[1], [0], [0], [1], [0, 0, 1, 1], [], []>, transpose_lhs_hint = false} : vector<2000x128xf32>, vector<128x128xf32>, vector<2000x128xf32> -> vector<2000x128xf32>
    %add3A_83 = arith.addf %add3A_79, %dot_general3A_82 : vector<2000x128xf32>
    %get3A_84 = arith.constant 0 : index
    %get3A_85 = vector.load %arg9[%get3A_84] : memref<128xf32, #tpu.memory_space<vmem>>, vector<128xf32>
    %broadcast_in_dim3A_86 = vector.shape_cast %get3A_85 : vector<128xf32> to vector<1x128xf32>
    %add3A_87 = vector.broadcast %broadcast_in_dim3A_86 : vector<1x128xf32> to vector<2000x128xf32>
    %add3A_88 = arith.addf %add3A_83, %add3A_87 : vector<2000x128xf32>
    %reduce_sum3A = arith.constant dense<0.000000e+00> : vector<2000xf32>
    %reduce_sum3A_89 = vector.multi_reduction <add>, %add3A_88, %reduce_sum3A [1] : vector<2000x128xf32> to vector<2000xf32>
    %broadcast_in_dim3A_90 = vector.shape_cast %reduce_sum3A_89 : vector<2000xf32> to vector<2000x1xf32>
    %div3A = arith.constant 1.280000e+02 : f32
    %div3A_91 = vector.broadcast %div3A : f32 to vector<2000x1xf32>
    %div3A_92 = arith.divf %broadcast_in_dim3A_90, %div3A_91 : vector<2000x1xf32>
    %sub3A = vector.broadcast %div3A_92 : vector<2000x1xf32> to vector<2000x128xf32>
    %sub3A_93 = arith.subf %add3A_88, %sub3A : vector<2000x128xf32>
    %square3A = arith.mulf %sub3A_93, %sub3A_93 : vector<2000x128xf32>
    %reduce_sum3A_94 = arith.constant dense<0.000000e+00> : vector<2000xf32>
    %reduce_sum3A_95 = vector.multi_reduction <add>, %square3A, %reduce_sum3A_94 [1] : vector<2000x128xf32> to vector<2000xf32>
    %broadcast_in_dim3A_96 = vector.shape_cast %reduce_sum3A_95 : vector<2000xf32> to vector<2000x1xf32>
    %div3A_97 = arith.constant 1.280000e+02 : f32
    %div3A_98 = vector.broadcast %div3A_97 : f32 to vector<2000x1xf32>
    %div3A_99 = arith.divf %broadcast_in_dim3A_96, %div3A_98 : vector<2000x1xf32>
    %sub3A_100 = vector.broadcast %div3A_92 : vector<2000x1xf32> to vector<2000x128xf32>
    %sub3A_101 = arith.subf %add3A_88, %sub3A_100 : vector<2000x128xf32>
    %add3A_102 = arith.constant 9.99999974E-6 : f32
    %add3A_103 = vector.broadcast %add3A_102 : f32 to vector<2000x1xf32>
    %add3A_104 = arith.addf %div3A_99, %add3A_103 : vector<2000x1xf32>
    %rsqrt3A = math.rsqrt %add3A_104 : vector<2000x1xf32>
    %mul3A_105 = vector.broadcast %rsqrt3A : vector<2000x1xf32> to vector<2000x128xf32>
    %mul3A_106 = arith.mulf %sub3A_101, %mul3A_105 : vector<2000x128xf32>
    %get3A_107 = arith.constant 0 : index
    %get3A_108 = vector.load %arg10[%get3A_107] : memref<128xf32, #tpu.memory_space<vmem>>, vector<128xf32>
    %broadcast_in_dim3A_109 = vector.shape_cast %get3A_108 : vector<128xf32> to vector<1x128xf32>
    %mul3A_110 = vector.broadcast %broadcast_in_dim3A_109 : vector<1x128xf32> to vector<2000x128xf32>
    %mul3A_111 = arith.mulf %mul3A_106, %mul3A_110 : vector<2000x128xf32>
    %get3A_112 = arith.constant 0 : index
    %get3A_113 = vector.load %arg11[%get3A_112] : memref<128xf32, #tpu.memory_space<vmem>>, vector<128xf32>
    %broadcast_in_dim3A_114 = vector.shape_cast %get3A_113 : vector<128xf32> to vector<1x128xf32>
    %add3A_115 = vector.broadcast %broadcast_in_dim3A_114 : vector<1x128xf32> to vector<2000x128xf32>
    %add3A_116 = arith.addf %mul3A_111, %add3A_115 : vector<2000x128xf32>
    %logistic3A = arith.negf %add3A_116 : vector<2000x128xf32>
    %logistic3A_117 = math.exp %logistic3A : vector<2000x128xf32>
    %logistic3A_118 = arith.constant 1.000000e+00 : f32
    %logistic3A_119 = vector.broadcast %logistic3A_118 : f32 to vector<2000x128xf32>
    %logistic3A_120 = arith.addf %logistic3A_119, %logistic3A_117 : vector<2000x128xf32>
    %logistic3A_121 = arith.divf %logistic3A_119, %logistic3A_120 : vector<2000x128xf32>
    %mul3A_122 = arith.mulf %add3A_116, %logistic3A_121 : vector<2000x128xf32>
    %get3A_123 = arith.constant 0 : index
    %get3A_124 = arith.constant 0 : index
    %get3A_125 = vector.load %arg12[%get3A_123, %get3A_124] : memref<128x128xf32, #tpu.memory_space<vmem>>, vector<128x128xf32>
    %dot_general3A_126 = arith.constant dense<0.000000e+00> : vector<2000x128xf32>
    %dot_general3A_127 = tpu.matmul %mul3A_122, %get3A_125, %dot_general3A_126 {dimension_numbers = #tpu.dot_dimension_numbers<[1], [0], [0], [1], [0, 0, 1, 1], [], []>, transpose_lhs_hint = false} : vector<2000x128xf32>, vector<128x128xf32>, vector<2000x128xf32> -> vector<2000x128xf32>
    %get3A_128 = arith.constant 0 : index
    %get3A_129 = vector.load %arg13[%get3A_128] : memref<128xf32, #tpu.memory_space<vmem>>, vector<128xf32>
    %broadcast_in_dim3A_130 = vector.shape_cast %get3A_129 : vector<128xf32> to vector<1x128xf32>
    %add3A_131 = vector.broadcast %broadcast_in_dim3A_130 : vector<1x128xf32> to vector<2000x128xf32>
    %add3A_132 = arith.addf %dot_general3A_127, %add3A_131 : vector<2000x128xf32>
    %get3A_133 = arith.constant 0 : index
    %get3A_134 = arith.constant 0 : index
    %get3A_135 = vector.load %arg1[%get3A_133, %get3A_134] : memref<2000x128xf32, #tpu.memory_space<vmem>>, vector<2000x128xf32>
    %add3A_136 = arith.addf %add3A_132, %get3A_135 : vector<2000x128xf32>
    %swap3A = arith.constant 0 : index
    %swap3A_137 = arith.constant 0 : index
    %swap3A_138 = vector.load %arg14[%swap3A, %swap3A_137] : memref<2000x128xf32, #tpu.memory_space<vmem>>, vector<2000x128xf32>
    tpu.vector_store %arg14[%swap3A, %swap3A_137], %add3A_136 {strides = array<i32>} : memref<2000x128xf32, #tpu.memory_space<vmem>>, vector<2000x128xf32>,
    return
  }
  func.func @transform_0(%arg0: i32) -> (i32, i32) {
    %c0_i32 = arith.constant 0 : i32
    %c0_i32_0 = arith.constant 0 : i32
    return %arg0, %c0_i32 : i32, i32
  }
  func.func @transform_1(%arg0: i32) -> (i32, i32) {
    %c0_i32 = arith.constant 0 : i32
    %c0_i32_0 = arith.constant 0 : i32
    return %arg0, %c0_i32 : i32, i32
  }
  func.func @transform_2(%arg0: i32) -> (i32, i32) {
    %c0_i32 = arith.constant 0 : i32
    %c0_i32_0 = arith.constant 0 : i32
    return %arg0, %c0_i32 : i32, i32
  }
  func.func @transform_3(%arg0: i32) -> (i32, i32) {
    %c0_i32 = arith.constant 0 : i32
    %c0_i32_0 = arith.constant 0 : i32
    %c0_i32_1 = arith.constant 0 : i32
    return %c0_i32, %c0_i32_0 : i32, i32
  }
  func.func @transform_4(%arg0: i32) -> i32 {
    %c0_i32 = arith.constant 0 : i32
    %c0_i32_0 = arith.constant 0 : i32
    return %c0_i32 : i32
  }
  func.func @transform_5(%arg0: i32) -> (i32, i32) {
    %c0_i32 = arith.constant 0 : i32
    %c0_i32_0 = arith.constant 0 : i32
    %c0_i32_1 = arith.constant 0 : i32
    return %c0_i32, %c0_i32_0 : i32, i32
  }
  func.func @transform_6(%arg0: i32) -> (i32, i32) {
    %c0_i32 = arith.constant 0 : i32
    %c0_i32_0 = arith.constant 0 : i32
    %c0_i32_1 = arith.constant 0 : i32
    return %c0_i32, %c0_i32_0 : i32, i32
  }
  func.func @transform_7(%arg0: i32) -> (i32, i32) {
    %c0_i32 = arith.constant 0 : i32
    %c0_i32_0 = arith.constant 0 : i32
    %c0_i32_1 = arith.constant 0 : i32
    return %c0_i32, %c0_i32_0 : i32, i32
  }
  func.func @transform_8(%arg0: i32) -> i32 {
    %c0_i32 = arith.constant 0 : i32
    %c0_i32_0 = arith.constant 0 : i32
    return %c0_i32 : i32
  }
  func.func @transform_9(%arg0: i32) -> i32 {
    %c0_i32 = arith.constant 0 : i32
    %c0_i32_0 = arith.constant 0 : i32
    return %c0_i32 : i32
  }
  func.func @transform_10(%arg0: i32) -> i32 {
    %c0_i32 = arith.constant 0 : i32
    %c0_i32_0 = arith.constant 0 : i32
    return %c0_i32 : i32
  }
  func.func @transform_11(%arg0: i32) -> (i32, i32) {
    %c0_i32 = arith.constant 0 : i32
    %c0_i32_0 = arith.constant 0 : i32
    %c0_i32_1 = arith.constant 0 : i32
    return %c0_i32, %c0_i32_0 : i32, i32
  }
  func.func @transform_12(%arg0: i32) -> i32 {
    %c0_i32 = arith.constant 0 : i32
    %c0_i32_0 = arith.constant 0 : i32
    return %c0_i32 : i32
  }
  func.func @transform_13(%arg0: i32) -> (i32, i32) {
    %c0_i32 = arith.constant 0 : i32
    %c0_i32_0 = arith.constant 0 : i32
    return %arg0, %c0_i32 : i32, i32
  }
}

</mosaic_0001>

<sc_bundles>
// kernel: scatter_offload_async_start
scs
__scs_entry_jumppad:
0x0: {  	(pc) =	sbr.rel $0x88, $3  }
0x1: {  	(tag) =	ssettag $0x0;
	lr =	simm.s32 $0x1  }
0x2: {  	[smem:$0x3F8F] =	sst lr;
	_ =	strace $0xD0000000  }
0x3: {  	_ = 	snop  }
0x4: {  	_ = 	snop  }
0x5: {  	_ = 	snop  }
0x6: {  	_ = 	snop  }
0x7: {  	_ = 	snop  }
__scs_overlays_trampoline_lowered:
0x8: {  	[smem:$0x3F9E] =	sst s0  }
0x9: {  	[smem:$0x3F9F] =	sst s1  }
0xa: {  	[smem:$0x3FA0] =	sst s2  }
0xb: {  	[smem:$0x3FA1] =	sst s3  }
0xc: {  	[smem:$0x3FA2] =	sst s4  }
0xd: {  	[smem:$0x3FA3] =	sst s5  }
0xe: {  	[smem:$0x3FA4] =	sst s6  }
0xf: {  	[smem:$0x3FA5] =	sst s7  }
0x10: {  	[smem:$0x3FA6] =	sst s8  }
0x11: {  	[smem:$0x3FA7] =	sst s9;
	s0 =	simm.s32 @!p0 $0x0  }
0x12: {  	s1 =	sld [smem:$0x3F8D];
	s0 =	simm.s32 @p0 $0x1  }
0x13: {  	[smem:$0x3FA8] =	sst s0;
	s0 =	simm.s32 @!p1 $0x0  }
0x14: {  	s2 =	sld [smem:$0x3F8C];
	s0 =	simm.s32 @p1 $0x1  }
0x15: {  	[smem:$0x3FA9] =	sst s0;
	s0 =	simm.s32 @!p2 $0x0  }
0x16: {  	s3 =	sld [smem:$0x3FDB];
	s0 =	simm.s32 @p2 $0x1  }
0x17: {  	s4 =	simm.s32 $0x1BF5;
	[smem:$0x3FAB] =	sst s0  }
0x18: {  	s0 =	sld [smem:$0x3F8E];
	_ =	swait.ge [sflag:s4], $0x0  }
0x19: {  	s7 =	sld [smem:$0x3F8F]  }
0x1a: {  	s8 =	sadd.s32 $0xFFFFE003, lr  }
0x1b: {  	s9 =	sadd.s32 $0xFFFFFEF7, lr;
	s5 =	simm.s32 $0xFFFFFFFF;
	p2 =	slt.u32 s8, $0xFFFFF086  }
0x1c: {  	p1 =	slt.u32 s9, $0xF7A;
	s5 =	simm.s32 @!p2 $0x0  }
0x1d: {  	s5 =	simm.s32 @p1 $0x1;
	p0 =	seq.s32 s7, s2  }
0x1e: {  	s7 =	smul.u32 @!p0 $0xF7A, s2;
	p2 =	seq.s32 @!p0 s5, $0x0  }
0x1f: {  	s9 =	smul.u32 $0xF7A, s1;
	s8 =	simm.s32 @!p0 $0x1BF5;
	p2 =	por !p2, p0  }
0x20: {  	[sflag:s8] =	ssyncset.s32 @!p0 $0xFFFFF086;
	s6 =	sadd.s32 @!p0 s3, s7;
	s7 =	simm.s32 @!p0 $0x108  }
0x21: {  	s3 =	sadd.s32 s3, s9;
	s6 =	sadd.s32 @!p0 $0x88, s6;
	s7 =	simm.s32 @p2 $0x1082  }
0x22: {  	[simem:s7], [sflag:s8] =	dma.local @!p0 [hbm:s6], $0xF7A  }
0x23: {  	s9 =	sor.u32 $0xD0000000, s2;
	s6 =	simm.s32 $0x108;
	_ =	swait.ge @!p0 [sflag:s8], $0x0  }
0x24: {  	s3 =	sadd.s32 $0x88, s3;
	s6 =	simm.s32 @!p1 $0x1082;
	[sflag:s4] =	ssyncset.s32 $0xFFFFF086  }
0x25: {  	[simem:s6], [sflag:s4] =	dma.local [hbm:s3], $0xF7A  }
0x26: {  	[smem:$0x3F8F] =	sst s1;
	(tag) =	ssettag s2;
	_ =	strace s9  }
0x27: {  	s1 =	sld [smem:$0x3F9F]  }
0x28: {  	s2 =	sld [smem:$0x3FA0]  }
0x29: {  	s4 =	sld [smem:$0x3FA2]  }
0x2a: {  	p0 =	seq.s32 s5, $0x0;
	s5 =	sld [smem:$0x3FA3]  }
0x2b: {  	s6 =	sld [smem:$0x3FA4]  }
0x2c: {  	s7 =	sld [smem:$0x3FA5]  }
0x2d: {  	s3 =	simm.s32 $0x108;
	s8 =	sld [smem:$0x3FA6]  }
0x2e: {  	s3 =	simm.s32 @!p0 $0x1082;
	s9 =	sld [smem:$0x3FA7]  }
0x2f: {  	lr =	sadd.s32 s0, s3;
	s0 =	sld [smem:$0x3F9E]  }
0x30: {  	s3 =	sld [smem:$0x3FA1]  }
0x31: {  	[smem:$0x3FAA] =	sst s10  }
0x32: {  	s10 =	sld [smem:$0x3FA8];
	_ =	sdelay $0x3  }
0x33: {  	p0 =	seq.s32 s10, $0x1;
	s10 =	sld [smem:$0x3FAA];
	_ =	sdelay $0x3  }
0x34: {  	[smem:$0x3FAA] =	sst s10  }
0x35: {  	s10 =	sld [smem:$0x3FA9];
	_ =	sdelay $0x3  }
0x36: {  	p1 =	seq.s32 s10, $0x1;
	s10 =	sld [smem:$0x3FAA];
	_ =	sdelay $0x3  }
0x37: {  	[smem:$0x3FAA] =	sst s10  }
0x38: {  	s10 =	sld [smem:$0x3FAB]  }
0x39: {  	_ = 	snop;
	(pc) =	sbr.ind lr, $3  }
0x3a: {  	_ = 	snop  }
0x3b: {  	_ = 	snop  }
0x3c: {  	p2 =	seq.s32 s10, $0x1;
	s10 =	sld [smem:$0x3FAA]  }
0x3d: {  	_ =	shalt  }
0x3e: {  	_ =	shalt  }
0x3f: {  	_ =	shalt  }
0x40: {  	_ =	shalt  }
0x41: {  	_ =	shalt  }
0x42: {  	_ =	shalt  }
0x43: {  	_ =	shalt  }
0x44: {  	_ =	shalt  }
0x45: {  	_ =	shalt  }
0x46: {  	_ =	shalt  }
0x47: {  	_ =	shalt  }
0x48: {  	_ =	shalt  }
0x49: {  	_ =	shalt  }
0x4a: {  	_ =	shalt  }
0x4b: {  	_ =	shalt  }
0x4c: {  	_ =	shalt  }
0x4d: {  	_ =	shalt  }
0x4e: {  	_ =	shalt  }
0x4f: {  	_ =	shalt  }
0x50: {  	_ =	shalt  }
0x51: {  	_ =	shalt  }
0x52: {  	_ =	shalt  }
0x53: {  	_ =	shalt  }
0x54: {  	_ =	shalt  }
0x55: {  	_ =	shalt  }
0x56: {  	_ =	shalt  }
0x57: {  	_ =	shalt  }
0x58: {  	_ =	shalt  }
0x59: {  	_ =	shalt  }
0x5a: {  	_ =	shalt  }
0x5b: {  	_ =	shalt  }
0x5c: {  	_ =	shalt  }
0x5d: {  	_ =	shalt  }
0x5e: {  	_ =	shalt  }
0x5f: {  	_ =	shalt  }
0x60: {  	_ =	shalt  }
0x61: {  	_ =	shalt  }
0x62: {  	_ =	shalt  }
0x63: {  	_ =	shalt  }
0x64: {  	_ =	shalt  }
0x65: {  	_ =	shalt  }
0x66: {  	_ =	shalt  }
0x67: {  	_ =	shalt  }
0x68: {  	_ =	shalt  }
0x69: {  	_ =	shalt  }
0x6a: {  	_ =	shalt  }
0x6b: {  	_ =	shalt  }
0x6c: {  	_ =	shalt  }
0x6d: {  	_ =	shalt  }
0x6e: {  	_ =	shalt  }
0x6f: {  	_ =	shalt  }
0x70: {  	_ =	shalt  }
0x71: {  	_ =	shalt  }
0x72: {  	_ =	shalt  }
0x73: {  	_ =	shalt  }
0x74: {  	_ =	shalt  }
0x75: {  	_ =	shalt  }
0x76: {  	_ =	shalt  }
0x77: {  	_ =	shalt  }
0x78: {  	_ =	shalt  }
0x79: {  	_ =	shalt  }
0x7a: {  	_ =	shalt  }
0x7b: {  	_ =	shalt  }
0x7c: {  	_ =	shalt  }
0x7d: {  	_ =	shalt  }
0x7e: {  	_ =	shalt  }
0x7f: {  	_ =	shalt  }
0x80: {  	_ =	shalt  }
0x81: {  	_ =	shalt  }
0x82: {  	_ =	shalt  }
0x83: {  	_ =	shalt  }
0x84: {  	_ =	shalt  }
0x85: {  	_ =	shalt  }
0x86: {  	_ =	shalt  }
0x87: {  	_ =	shalt  }
.Lfunc_end0:
.L_simem_size_0:
called_computation_lowered:
.L_overlay_start_0:
0x88: {  	s2 =	sld [smem:$0x3FD9]  }
0x89: {  	s3 =	sld [smem:$0x3FFE];
	_ =	sdelay $0x1  }
0x8a: {  	s1 =	srdreg.scid  }
0x8b: {  	s0 =	sand.u32 $0x1, s1  }
0x8c: {  	s15 =	sshll.u32 s0, $0xA;
	s2 =	sadd.s32 s3, s2  }
0x8d: {  	s2 =	sadd.s32 s2, s15  }
0x8e: {  	[smem:$0x3FB6] =	sst s2  }
0x8f: {  	_ = 	snop  }
0x90: {  	(tm) =	ssettm $0x1  }
0x91: {  	s16 =	sld [smem:$0x3FFB];
	_ =	sdelay $0x3  }
0x92: {  	_ =	strace s16  }
0x93: {  	s2 =	sld [smem:$0x3FFC];
	_ =	sdelay $0x3  }
0x94: {  	_ =	strace s2  }
0x95: {  	s2 =	sld [smem:$0x3FFD];
	_ =	sdelay $0x3  }
0x96: {  	_ =	strace s2  }
0x97: {  	_ =	strace $0x8FFFFFFF  }
0x98: {  	s17 =	sld [smem:$0x3FDB];
	_ =	sdelay $0x1  }
0x99: {  	s18 =	simm.s32 $_scs_section_size  }
0x9a: {  	s4 =	simm.s32 $_size__tile_overlayer_lowered;
	s5 =	simm.s32 $_tile_overlayer_lowered  }
0x9b: {  	s21 =	simm.s32 $0x1BFF;
	s20 =	sshll.u32 s5, $0x1;
	s2 =	sadd.s32 s18, s17  }
0x9c: {  	s6 =	simm.s32 $0x0;
	s19 =	sshll.u32 s4, $0x1;
	s4 =	sadd.s32 s20, s2  }
0x9d: {  	[timem:s6], [sflag:s21] =	dma.local [hbm:s4], s19  }
0x9e: {  	_ =	swait.ge [sflag:s21], s19  }
0x9f: {  	s3 =	ssub.s32 $0x0, s19;
	[sflag:s21] =	ssyncset.done $0x0  }
0xa0: {  	[sflag:s21] =	ssyncadd.s32 s3;
	_ =	sdelay $0x1  }
0xa1: {  	s22 =	simm.s32 $0x1B8B  }
0xa2: {  	_ =	swait.ge [sflag:s22], $0x1  }
0xa3: {  	[sflag:s22] =	ssyncset.done $0x0  }
0xa4: {  	s23 =	sld [smem:$0x3FFE];
	[sflag:s22] =	ssyncadd.s32 $0xFFFFFFFF  }
0xa5: {  	s25 =	simm.s32 $0x1B8E;
	s24 =	sld [smem:$0x0]  }
0xa6: {  	s26 =	simm.s32 $execute0_lowered;
	[smem:$0x3FD2] =	sst s25  }
0xa7: {  	s5 =	sshll.u32 s26, $0x1;
	_ =	strace $0x8000004C;
	[dreg:$0x1] =	wrdreg $0xFFFFFFFF  }
0xa8: {  	s28 =	simm.s32 $_size_execute0_lowered;
	s2 =	sadd.s32 s2, s5;
	[dreg:$0x0] =	wrdreg $0x0  }
0xa9: {  	s5 =	sshll.u32 s28, $0x1;
	[dreg:$0x2] =	wrdreg s2  }
0xaa: {  	[dreg:$0x3] =	wrdreg s5  }
0xab: {  	[dreg:$0x4] =	wrdreg $0xC0  }
0xac: {  	_ =	task [dreg:s6], $0x5FFFF  }
0xad: {  	[dreg:$0x1] =	wrdreg $0xFFFFFFFF  }
0xae: {  	[dreg:$0x0] =	wrdreg $0x60  }
0xaf: {  	[dreg:$0x2] =	wrdreg s23  }
0xb0: {  	[dreg:$0x3] =	wrdreg s1  }
0xb1: {  	[dreg:$0x4] =	wrdreg s24  }
0xb2: {  	[dreg:$0x5] =	wrdreg $0x9  }
0xb3: {  	_ =	task.clear_ibuf [dreg:s6], $0x6FFFF;
	_ =	strace $0x9000004C  }
0xb4: {  	s29 =	simm.s32 $0x9;
	_ =	strace $0x8000004E  }
0xb5: {  	_ =	swait.ge [sflag:s29], $0x1  }
0xb6: {  	[sflag:s29] =	ssyncadd.s32 $0xFFFFFFFF  }
0xb7: {  	_ =	strace $0x9000004E  }
0xb8: {  	_ =	sfence  }
0xb9: {  	s30 =	sld [smem:$0x0];
	_ =	sdelay $0x2  }
0xba: {  	s31 =	sshll.u32 s1, $0xD;
	s1 =	sshrl.u32 s1, $0x2  }
0xbb: {  	s3 =	sand.u32 $0x4000, s31;
	s1 =	sadd.s32 s1, s30  }
0xbc: {  	s0 =	sor.u32 s3, s0;
	s1 =	sshll.u32 s1, $0x11  }
0xbd: {  	s0 =	sor.u32 s1, s0  }
0xbe: {  	s0 =	sadd.s32 $0x8F2B, s0  }
0xbf: {  	[sflag:s0] =	ssyncadd.remote.s32 $0x1  }
0xc0: {  	_ =	sfence.sel $0xFFFF  }
0xc1: {  	[dreg:$0x0] =	wrdreg $0xFFFFFFFF;
	(pc) =	sbr.abs _section_cstart, $3  }
0xc2: {  	[dreg:$0x1] =	wrdreg $0xFFFFFFFF  }
0xc3: {  	_ =	task.clear_ibuf [dreg:s6], $0x2FFFF;
	_ =	strace $0x9FFFFFFF  }
0xc4: {  	(tm) =	ssettm $0x7FFFFFFF  }
0xc5: {  	_ =	shalt  }
tec
execute0_lowered:
.L_overlay_start_1:
0x0: {  	(tag) =	ssettag $0x1  }
0x1: {  	s2 =	rddreg [dreg:$0x0]  }
0x2: {  	s4 =	rddreg [dreg:$0x1];
	_ =	strace $0x8000004D;
	s0 =	simm.s32 $0x1  }
0x3: {  	s3 =	simm.s32 $0x388;
	v0 =	vimm.s32 $0x0;
	[sflag:s0] =	ssyncpa.u1 $0x0  }
0x4: {  	[tilespmem:s3+$0x30] =	vst v0  }
0x5: {  	s1 =	sadd.s32 $0x15800, s2;
	s0 =	sadd.s32 $0x1C00, s2;
	s6 =	sadd.s32 $0x1389C00, s2;
	[tilespmem:s3+$0x20] =	vst v0  }
0x6: {  	s2 =	sadd.s32 $0xBA00, s2;
	s7 =	sand.u32 $0x1, s4;
	s4 =	simm.s32 $0x40;
	[tilespmem:s3+$0x10] =	vst v0  }
.LBB2_1:
0x7: {  	s4 =	sadd.s32 $0x40, s4  }
0x8: {  	[tilespmem:s3+$0x0] =	vst v0;
	s3 =	sadd.s32 $0x40, s3;
	p0 =	slt.u32 s4, $0x55C0  }
.Ltmp0:
0x9: {  	(pc) =	sbr.rel @p0 .LBB2_1-.Ltmp0, $4  }
0xa: {  	_ = 	snop  }
0xb: {  	[tilespmem:s3+$0x30] =	vst v0  }
0xc: {  	[tilespmem:s3+$0x20] =	vst v0  }
0xd: {  	[tilespmem:s3+$0x10] =	vst v0  }
0xe: {  	s10 =	stileid.u32  }
0xf: {  	s4 =	smul.u32 $0xD0, s10  }
0x10: {  	s5 =	smin.u32 s10, $0x6  }
0x11: {  	s4 =	sor.u32 s5, s4  }
0x12: {  	p0 =	slt.u32 s10, $0x6;
	s11 =	smul.u32 $0x30, s4;
	s4 =	simm.s32 $0x2730  }
0x13: {  	s4 =	simm.s32 @!p0 $0x2700  }
0x14: {  	s4 =	sadd.s32 s4, s11  }
0x15: {  	s8 =	smin.u32 s4, $0x27100  }
0x16: {  	s24 =	simm.s32 $0x2;
	s26 =	simm.s32 $0x9;
	s4 =	ssub.s32 s8, s11  }
0x17: {  	s28 =	simm.s32 $0xA;
	[dreg:$0x4] =	wrdreg s7;
	p0 =	sgt.s32 s4, $0x0  }
0x18: {  	s29 =	smul.u32 $0x4E20, s7;
	s30 =	simm.s32 $0xB;
	s4 =	simm.s32 @!p0 $0x0  }
0x19: {  	s12 =	simm.s32 $0x1;
	p1 =	por $0x0, $0x0;
	s25 =	smulhi.u32 $0x2AAAAAAB, s4  }
0x1a: {  	s18 =	simm.s32 $0x80;
	s19 =	simm.s32 $0x400;
	s20 =	simm.s32 $0xC  }
0x1b: {  	[tilespmem:s3+$0x0] =	vst v0;
	s21 =	simm.s32 $0x0;
	s31 =	smul.u32 $0xE00, s10;
	s3 =	sshrl.u32 s25, $0x3  }
0x1c: {  	v0 =	vimm.s32 $0xFFFFFFFF;
	s23 =	simm.s32 $0x0;
	[sflag:s24] =	ssyncpa.u1 $0x0;
	s9 =	smul.u32 $0x30, s3  }
0x1d: {  	[tilespmem:$0xAF08] =	vst v0;
	[sflag:s26] =	ssyncpa.u1 $0x0;
	s14 =	sadd.s32 s29, s2;
	s15 =	sadd.s32 s29, s0  }
.Ltmp1:
0x1e: {  	p0 =	sne.s32 s4, s9;
	s4 =	simm.s32 $0x1;
	(pc) =	sbr.rel .LBB2_3-.Ltmp1, $4  }
0x1f: {  	s0 =	simm.s32 $0x0;
	[sflag:s28] =	ssyncpa.u1 $0x0;
	s4 =	simm.s32 @!p0 $0x0  }
0x20: {  	s16 =	sshrl.u32 s31, $0x2;
	[dreg:$0x5] =	wrdreg s15;
	s13 =	sadd.s32 s4, s3  }
0x21: {  	[sflag:s30] =	ssyncpa.u1 $0x0;
	[dreg:$0x6] =	wrdreg s16;
	s17 =	sadd.s32 $0x1, s13  }
0x22: {  	v0 =	vlaneseq.u32;
	s22 =	smov.u32 s11;
	p0 =	por $0x1, $0x1;
	[dreg:$0x7] =	wrdreg s17  }
.LBB2_24:
0x23: {  	s0 =	sshrl.u32 s0, $0x2  }
.LBB2_26:
0x24: {  	_ =	swait.ge [sflag:s20], s0  }
0x25: {  	s31 =	ssub.s32 $0x0, s0;
	v1 =	vmov s26;
	vm0 =	veq.s32 v0, $0x0;
	[sflag:s20] =	ssyncset.done $0x0  }
0x26: {  	vm15 =	veq.s32 v0, $0x2;
	v1 =	vsel vm0, s4, v1;
	[sflag:s20] =	ssyncadd.s32 s31  }
0x27: {  	v1 =	vsel vm15, s24, v1;
	[sflag:s20] =	ssyncpa.u1 $0x1  }
0x28: {  	[tilespmem:$0xAF08] =	vst v1  }
.LBB2_27:
0x29: {  	s2 =	sadd.s32 $0x30, s22  }
0x2a: {  	s3 =	smov.u32 s11;
	p2 =	slt.s32 s2, s8  }
0x2b: {  	s3 =	smov.u32 @p2 s2;
	p2 =	sne.s32 s23, s17  }
.Ltmp2:
0x2c: {  	_ = 	snop;
	(pc) =	sbr.rel @!p2 .LBB2_28-.Ltmp2, $4  }
0x2d: {  	_ = 	snop  }
0x2e: {  	s0 =	smov.u32 s21  }
0x2f: {  	s31 =	sadd.s32 $0x1, s23;
	s21 =	smov.u32 s22;
	p0 =	por !p0, !p0  }
0x30: {  	p1 =	por !p1, !p1;
	s23 =	smov.u32 s31;
	s22 =	smov.u32 s3  }
.LBB2_3:
0x31: {  	p2 =	sge.u32 s23, s13  }
0x32: {  	s2 =	smulhi.u32 @!p2 $0xAAAAAAAB, s23  }
0x33: {  	s3 =	smov.u32 s22;
	p3 =	sgt.s32 @!p2 s22, $0x270D0  }
0x34: {  	s4 =	sshra.s32 @!p2 s22, $0x1F;
	p3 =	por !p3, p2;
	s2 =	sshrl.u32 @!p2 s2, $0x1  }
0x35: {  	s4 =	sand.u32 @!p2 s4, s22;
	s3 =	simm.s32 @p3 $0x270D0;
	s2 =	smul.u32 @!p2 $0x3, s2  }
0x36: {  	s3 =	ssub.s32 @!p2 s3, s4  }
0x37: {  	s3 =	sadd.s32 @!p2 $0xFFFD8F30, s3;
	s2 =	ssub.s32 @!p2 s23, s2  }
0x38: {  	s4 =	sshll.u32 @!p2 s3, $0x2;
	p3 =	sgt.s32 @!p2 s3, $0x2F;
	s2 =	smul.u32 @!p2 $0xC0, s2  }
0x39: {  	s5 =	sand.u32 @!p2 $0x7, s22;
	s3 =	ssub.s32 @!p2 $0xC0, s4;
	p3 =	por !p3, p2  }
0x3a: {  	s4 =	sshrl.u32 @!p2 s22, $0x3;
	s3 =	sshrl.u32 @!p2 s3, $0x2;
	s2 =	sshrl.u32 @!p2 s2, $0x2  }
0x3b: {  	s4 =	sadd.s32 @!p2 s4, s14;
	s3 =	simm.s32 @!p3 $0x0;
	s2 =	sadd.s32 @!p2 $0xE748, s2  }
0x3c: {  	[tilespmem:s2], [sflag:$0xA] =	stream.linear.gather @!p2 [hbm4b:s4+s5], s3, $0x38;
	[tilespmem:$0x1A838] =	vst v63  }
0x3d: {  	s3 =	sadd.s32 $0xFFFFFFFF, s23  }
0x3e: {  	p2 =	sge.u32 s3, s13  }
0x3f: {  	p3 =	sgt.s32 @!p2 s21, $0x270D0  }
0x40: {  	s2 =	smov.u32 s21;
	s4 =	sshra.s32 @!p2 s21, $0x1F;
	p3 =	por !p3, p2  }
0x41: {  	s4 =	sand.u32 @!p2 s4, s21;
	s2 =	simm.s32 @p3 $0x270D0  }
0x42: {  	s2 =	ssub.s32 @!p2 s2, s4  }
0x43: {  	s2 =	sadd.s32 @!p2 $0xFFFD8F30, s2  }
0x44: {  	s4 =	sshll.u32 @!p2 s2, $0x2  }
0x45: {  	p3 =	sgt.s32 @!p2 s2, $0x2F;
	s2 =	ssub.s32 @!p2 $0xC0, s4  }
0x46: {  	p3 =	por !p3, p2;
	s2 =	sshrl.u32 @!p2 s2, $0x2  }
0x47: {  	s5 =	simm.s32 @!p2 $0xA;
	s4 =	sand.u32 @!p2 $0x1, s3;
	s2 =	simm.s32 @!p3 $0x0  }
0x48: {  	s4 =	smul.u32 @!p2 $0xC0, s4;
	_ =	swait.ge @!p2 [sflag:s5], s2  }
0x49: {  	s9 =	ssub.s32 @!p2 $0x0, s2;
	[sflag:s5] =	ssyncset.done @!p2 $0x0  }
0x4a: {  	s4 =	sshrl.u32 @!p2 s4, $0x2;
	[sflag:s5] =	ssyncadd.s32 @!p2 s9;
	s5 =	sshrl.u32 @!p2 s21, $0x3  }
0x4b: {  	s4 =	sadd.s32 @!p2 $0xE7D8, s4;
	s9 =	sand.u32 @!p2 $0x7, s21;
	s5 =	sadd.s32 @!p2 s5, s15  }
0x4c: {  	[tilespmem:s4], [sflag:$0xB] =	stream.linear.gather @!p2 [hbm4b:s5+s9], s2, $0x38;
	[tilespmem:$0x1A838] =	vst v63  }
0x4d: {  	s2 =	ssub.s32 @!p2 $0x27100, s21  }
0x4e: {  	p3 =	slt.s32 @!p2 s2, $0x1  }
0x4f: {  	p3 =	por p2, p3  }
.Ltmp3:
0x50: {  	_ = 	snop;
	(pc) =	sbr.rel @p3 .LBB2_9-.Ltmp3, $1  }
0x51: {  	_ =	sdelay $0x3  }
0x52: {  	s4 =	smulhi.u32 $0xAAAAAAAB, s3;
	_ =	sdelay $0x1  }
0x53: {  	s4 =	sshrl.u32 s4, $0x1  }
0x54: {  	s4 =	smul.u32 $0x3, s4;
	_ =	sdelay $0x1  }
0x55: {  	s29 =	ssub.s32 s3, s4  }
0x56: {  	s5 =	simm.s32 $0x1;
	s3 =	smul.u32 $0xC0, s29  }
.Ltmp4:
0x57: {  	s5 =	simm.s32 @!p0 $0x0;
	(pc) =	sbr.rel .LBB2_6-.Ltmp4, $4  }
0x58: {  	s30 =	smul.u32 $0x18000, s5  }
0x59: {  	p3 =	slt.s32 @!p2 s2, $0x30;
	s3 =	sshrl.u32 s3, $0x2  }
0x5a: {  	p2 =	por !p3, p2;
	s4 =	sshrl.u32 s30, $0x2;
	s31 =	sadd.s32 $0xE748, s3  }
0x5b: {  	s2 =	simm.s32 @p2 $0x30;
	s3 =	sadd.s32 $0xE838, s4;
	s4 =	simm.s32 $0x0;
	v1 =	vmov s31  }
.LBB2_5:
0x5c: {  	p2 =	sge.s32 s4, s2  }
.Ltmp5:
0x5d: {  	_ = 	snop;
	(pc) =	sbr.rel @p2 .LBB2_9-.Ltmp5, $2  }
0x5e: {  	_ =	sdelay $0x2  }
0x5f: {  	s3 =	sadd.s32 $0x2000, s3  }
.LBB2_6:
0x60: {  	p2 =	sle.s32 s2, s4  }
.Ltmp6:
0x61: {  	_ = 	snop;
	(pc) =	sbr.rel @p2 .LBB2_5-.Ltmp6, $2  }
0x62: {  	_ =	sdelay $0x2  }
0x63: {  	s5 =	smov.u32 s4;
	s4 =	sadd.s32 $0x10, s4  }
0x64: {  	s9 =	ssub.s32 s2, s5  }
0x65: {  	p2 =	slt.s32 s9, $0x10  }
0x66: {  	s9 =	simm.s32 @!p2 $0x10  }
0x67: {  	v2 =	vmov s9  }
0x68: {  	vm0 =	vgt.s32 v2, v0;
	_ =	sdelay $0x5  }
0x69: {  	v2 =	vld.idx.msk [tilespmem:v1+s5+$0x0 ss:$0x1], vm0;
	_ =	sdelay $0x2  }
0x6a: {  	s24 =	smov.u32 s2;
	p2 =	slt.s32 s4, s2  }
0x6b: {  	s25 =	smov.u32 s3;
	s26 =	simm.s32 $0x0;
	s24 =	smov.u32 @p2 s4  }
.LBB2_8:
0x6c: {  	(v2sf) =	vpush v2, s26;
	_ =	sdelay $0xe  }
0x6d: {  	s26 =	sadd.s32 $0x1, s26;
	s9 =	spop (v2sf)  }
0x6e: {  	s31 =	sadd.s32 s26, s5;
	s10 =	sshll.u32 s9, $0x9;
	s9 =	sshll.u32 s9, $0x7  }
0x6f: {  	p2 =	slt.s32 s31, s24;
	s10 =	sand.u32 $0xFFFFF000, s10;
	s9 =	sand.u32 $0x380, s9  }
.Ltmp7:
0x70: {  	s9 =	sor.u32 s9, s10;
	(pc) =	sbr.rel @p2 .LBB2_8-.Ltmp7, $4  }
0x71: {  	s9 =	sshrl.u32 s9, $0x3  }
0x72: {  	s9 =	sadd.s32 s6, s9  }
0x73: {  	[tilespmem:s25], [sflag:$0x9] =	stream.strided.gather [hbm4b:s9+s18], $0x200, s19, s18, $0x38;
	[tilespmem:$0x1A838] =	vst v63  }
0x74: {  	s25 =	sadd.s32 $0x200, s25  }
.Ltmp8:
0x75: {  	_ = 	snop;
	(pc) =	sbr.rel .LBB2_5-.Ltmp8, $1  }
0x76: {  	_ =	sdelay $0x3  }
.LBB2_9:
0x77: {  	p2 =	slt.u32 s23, $0x2  }
.Ltmp9:
0x78: {  	_ = 	snop;
	(pc) =	sbr.rel @p2 .LBB2_27-.Ltmp9, $1  }
0x79: {  	_ =	sdelay $0x3  }
0x7a: {  	p2 =	sgt.s32 s0, $0x270D0  }
0x7b: {  	s2 =	smov.u32 s0;
	s3 =	sshra.s32 s0, $0x1F;
	s4 =	ssub.s32 $0x27100, s0  }
0x7c: {  	s2 =	simm.s32 @!p2 $0x270D0;
	s3 =	sand.u32 s3, s0;
	p2 =	slt.s32 s4, $0x30  }
0x7d: {  	s2 =	ssub.s32 s2, s3;
	s4 =	simm.s32 @!p2 $0x30  }
0x7e: {  	s2 =	sadd.s32 $0xFFFD8F30, s2;
	s25 =	sshll.u32 s4, $0x9  }
0x7f: {  	s29 =	simm.s32 $0x9;
	s26 =	sshll.u32 s2, $0x2;
	s3 =	sand.u32 $0x3FFFFE00, s25  }
0x80: {  	p2 =	sgt.s32 s2, $0x2F;
	s28 =	ssub.s32 $0xC0, s26;
	_ =	swait.ge [sflag:s29], s3  }
0x81: {  	s3 =	ssub.s32 $0x0, s3;
	[sflag:s29] =	ssyncset.done $0x0;
	s2 =	sshrl.u32 s28, $0x2  }
0x82: {  	s30 =	simm.s32 $0xB;
	[sflag:s29] =	ssyncadd.s32 s3;
	s2 =	simm.s32 @p2 $0x0  }
0x83: {  	_ =	swait.ge [sflag:s30], s2  }
0x84: {  	s2 =	ssub.s32 $0x0, s2;
	[sflag:s30] =	ssyncset.done $0x0  }
0x85: {  	[sflag:s30] =	ssyncadd.s32 s2  }
0x86: {  	v1 =	vld [tilespmem:$0xAF08];
	_ =	sdelay $0x4  }
0x87: {  	(v2sf) =	vpush v1, $0x0  }
0x88: {  	(v2sf) =	vpush v1, $0x1  }
0x89: {  	(v2sf) =	vpush v1, $0x2;
	_ =	sdelay $0x3  }
0x8a: {  	s2 =	sadd.s32 $0x30, s0  }
0x8b: {  	s3 =	ssub.s32 $0x4E200, s0;
	p2 =	slt.s32 s8, s2  }
0x8c: {  	s2 =	smov.u32 @p2 s8;
	p2 =	sgt.s32 s3, $0x0  }
0x8d: {  	s0 =	ssub.s32 s2, s0;
	s3 =	simm.s32 @!p2 $0x0  }
0x8e: {  	p2 =	slt.s32 s3, s0  }
0x8f: {  	s0 =	smov.u32 @p2 s3  }
0x90: {  	s4 =	simm.s32 $0x1;
	p2 =	slt.s32 s0, $0x1  }
.Ltmp10:
0x91: {  	s4 =	simm.s32 @!p1 $0x0;
	(pc) =	sbr.rel @p2 .LBB2_14-.Ltmp10, $4  }
0x92: {  	s9 =	smul.u32 $0xC0, s4  }
0x93: {  	s5 =	spop (v2sf)  }
0x94: {  	s31 =	sshrl.u32 s9, $0x2;
	s2 =	spop (v2sf)  }
0x95: {  	s25 =	sadd.s32 $0xE7D8, s31;
	s24 =	spop (v2sf)  }
0x96: {  	s3 =	smin.u32 s0, $0x10  }
0x97: {  	v1 =	vmov s3  }
0x98: {  	vm1 =	vgt.u32 v1, v0  }
0x99: {  	p3 =	sgt.s32 s0, $0x10  }
.Ltmp11:
0x9a: {  	_ = 	snop;
	(pc) =	sbr.rel @!p3 .LBB2_13-.Ltmp11, $2  }
0x9b: {  	_ =	sdelay $0x2  }
0x9c: {  	s26 =	simm.s32 $0x10;
	s28 =	sadd.s32 $0xFFFFFFF0, s0;
	s3 =	smov.u32 s25;
	vm0 =	vmmov vm1;
	v1 =	vld.msk [tilespmem:s25+$0x0 ss:$0x1], vm1  }
.LBB2_12:
0x9d: {  	s9 =	smin.u32 s28, $0x10;
	s26 =	sadd.s32 $0x10, s26  }
0x9e: {  	v2 =	vmov s9;
	p3 =	slt.s32 s26, s0  }
0x9f: {  	vm1 =	vgt.u32 v2, v0;
	_ =	sdelay $0x1  }
0xa0: {  	v2 =	vshll.u32 v1, $0x6;
	v1 =	vshll.u32 v1, $0x4  }
.Ltmp12:
0xa1: {  	v2 =	vand.u32 $0xFFFFFE00, v2;
	v1 =	vand.u32 $0x70, v1;
	(pc) =	sbr.rel @p3 .LBB2_12-.Ltmp12, $4  }
0xa2: {  	v1 =	vor.u32 v1, v2  }
0xa3: {  	[tilespmem:s3+$0x0] =	vst.msk vm0, v1;
	s3 =	sadd.s32 $0x10, s3;
	vm0 =	vmmov vm1  }
0xa4: {  	v1 =	vld.msk [tilespmem:s3+$0x0 ss:$0x1], vm1  }
0xa5: {  	s28 =	sadd.s32 $0xFFFFFFF0, s28  }
.LBB2_13:
0xa6: {  	_ =	sdelay $0x3  }
0xa7: {  	v2 =	vshll.u32 v1, $0x6;
	v1 =	vshll.u32 v1, $0x4  }
0xa8: {  	v2 =	vand.u32 $0xFFFFFE00, v2;
	v1 =	vand.u32 $0x70, v1  }
0xa9: {  	v1 =	vor.u32 v1, v2  }
0xaa: {  	[tilespmem:s3+$0x0] =	vst.msk vm0, v1  }
.LBB2_14:
0xab: {  	s3 =	sand.u32 $0x1, s23  }
0xac: {  	s3 =	smul.u32 $0x30, s3  }
0xad: {  	p3 =	sne.s32 s2, $0xFFFFFFFF  }
0xae: {  	v1 =	vld.msk @!p3 [tilespmem:s3+$0xE7D8], $0x1;
	_ =	sdelay $0x4  }
0xaf: {  	(v2sf) =	vpush @!p3 v1, $0x0;
	_ =	sdelay $0xc  }
.Ltmp13:
0xb0: {  	_ = 	snop;
	(pc) =	sbr.rel @p2 .LBB2_25-.Ltmp13, $4  }
0xb1: {  	_ = 	snop  }
0xb2: {  	s31 =	spop @!p3 (v2sf)  }
0xb3: {  	s24 =	simm.s32 @!p3 $0x0;
	s26 =	smov.u32 s31  }
0xb4: {  	[sflag:s20] =	ssyncpa.u1 $0x0;
	s31 =	smov.u32 @p3 s5;
	s26 =	smov.u32 @p3 s2  }
0xb5: {  	v1 =	vld.msk [tilespmem:s25+$0x0], $0x1;
	_ =	sdelay $0x4  }
0xb6: {  	(v2sf) =	vpush v1, $0x0;
	_ =	sdelay $0xc  }
0xb7: {  	s16 =	smov.u32 s13  }
0xb8: {  	s13 =	smov.u32 s8;
	s8 =	smov.u32 s14;
	s2 =	smul.u32 $0x18000, s4  }
0xb9: {  	s20 =	smov.u32 s11;
	s28 =	simm.s32 $0x0;
	s4 =	spop (v2sf)  }
0xba: {  	s30 =	ssub.s32 $0x0, s0;
	s2 =	sshrl.u32 s2, $0x2;
	p2 =	seq.s32 s31, s4  }
0xbb: {  	s5 =	smov.u32 s31;
	s29 =	sadd.s32 $0xE918, s2;
	p3 =	sgt.s32 @!p2 s31, $0x0  }
0xbc: {  	s3 =	smul.u32 @!p2 $0x700, s28;
	s2 =	simm.s32 @!p2 $0x1;
	p3 =	por !p3, p2  }
0xbd: {  	s0 =	sadd.s32 $0x1, s30;
	s2 =	smov.u32 @p2 s28;
	s5 =	simm.s32 @p3 $0x0  }
0xbe: {  	s10 =	sshra.s32 @!p2 s3, $0x2;
	p3 =	seq.s32 s0, $0x0;
	s5 =	smin.u32 @!p2 s5, $0x9C278  }
0xbf: {  	s9 =	sadd.s32 @!p2 $0x5948, s10;
	s3 =	sand.u32 @!p2 $0xFFFF8, s5;
	s11 =	sadd.s32 @!p2 $0x80, s5  }
0xc0: {  	s14 =	sadd.s32 @!p2 $0x100, s5;
	s15 =	sadd.s32 @!p2 s1, s3;
	s3 =	sand.u32 @!p2 $0x7, s5  }
0xc1: {  	s11 =	sand.u32 @!p2 $0x1FFFF8, s11;
	s14 =	sand.u32 @!p2 $0x1FFFF8, s14;
	s5 =	sadd.s32 @!p2 $0x180, s5  }
0xc2: {  	[tilespmem:s9], [sflag:$0x2] =	stream.linear.gather @!p2 [hbm4b:s15+s3], $0x80, $0x38;
	[tilespmem:$0x1A838] =	vst v63  }
.Ltmp14:
0xc3: {  	s9 =	sadd.s32 @!p2 $0x59C8, s10;
	s11 =	sadd.s32 @!p2 s1, s11;
	(pc) =	sbr.rel @p3 .LBB2_17-.Ltmp14, $4  }
0xc4: {  	[tilespmem:s9], [sflag:$0x2] =	stream.linear.gather @!p2 [hbm4b:s11+s3], $0x80, $0x38;
	[tilespmem:$0x1A838] =	vst v63  }
0xc5: {  	s5 =	sand.u32 @!p2 $0x1FFFF8, s5;
	s9 =	sadd.s32 @!p2 s1, s14;
	s11 =	sadd.s32 @!p2 $0x5A48, s10  }
0xc6: {  	[tilespmem:s11], [sflag:$0x2] =	stream.linear.gather @!p2 [hbm4b:s9+s3], $0x80, $0x38;
	[tilespmem:$0x1A838] =	vst v63  }
0xc7: {  	s10 =	sadd.s32 @!p2 $0x5AC8, s10;
	s9 =	sadd.s32 @!p2 s1, s5;
	s5 =	sadd.s32 $0x1, s25  }
.LBB2_16:
0xc8: {  	s11 =	smov.u32 s2  }
0xc9: {  	[tilespmem:s10], [sflag:$0x2] =	stream.linear.gather @!p2 [hbm4b:s9+s3], $0x40, $0x38;
	[tilespmem:$0x1A838] =	vst v63  }
0xca: {  	s0 =	sadd.s32 $0x1, s0;
	s3 =	smov.u32 s4  }
0xcb: {  	p3 =	seq.s32 s0, $0x0;
	v1 =	vld.msk [tilespmem:s5+$0x0], $0x1;
	_ =	sdelay $0x4  }
0xcc: {  	(v2sf) =	vpush v1, $0x0;
	_ =	sdelay $0xe  }
0xcd: {  	s4 =	spop (v2sf)  }
0xce: {  	p2 =	seq.s32 s3, s4  }
0xcf: {  	p4 =	sgt.s32 @!p2 s3, $0x0  }
0xd0: {  	s9 =	smul.u32 @!p2 $0x700, s2;
	s2 =	sadd.s32 @!p2 $0x1, s2;
	p4 =	por !p4, p2  }
0xd1: {  	s2 =	smov.u32 @p2 s11;
	s3 =	simm.s32 @p4 $0x0  }
0xd2: {  	s10 =	sshra.s32 @!p2 s9, $0x2;
	s9 =	smin.u32 @!p2 s3, $0x9C278  }
0xd3: {  	s11 =	sadd.s32 @!p2 $0x5948, s10;
	s14 =	sadd.s32 @!p2 $0x59C8, s10;
	s3 =	sand.u32 @!p2 $0xFFFF8, s9  }
0xd4: {  	s15 =	sadd.s32 @!p2 $0x80, s9;
	s17 =	sadd.s32 @!p2 $0x100, s9;
	s7 =	sadd.s32 @!p2 s1, s3  }
0xd5: {  	s3 =	sand.u32 @!p2 $0x7, s9;
	s15 =	sand.u32 @!p2 $0x1FFFF8, s15;
	s9 =	sadd.s32 @!p2 $0x180, s9  }
0xd6: {  	[tilespmem:s11], [sflag:$0x2] =	stream.linear.gather @!p2 [hbm4b:s7+s3], $0x80, $0x38;
	[tilespmem:$0x1A838] =	vst v63  }
.Ltmp15:
0xd7: {  	s7 =	sadd.s32 @!p2 s1, s15;
	s11 =	sand.u32 @!p2 $0x1FFFF8, s17;
	(pc) =	sbr.rel @!p3 .LBB2_16-.Ltmp15, $4  }
0xd8: {  	[tilespmem:s14], [sflag:$0x2] =	stream.linear.gather @!p2 [hbm4b:s7+s3], $0x80, $0x38;
	[tilespmem:$0x1A838] =	vst v63  }
0xd9: {  	s9 =	sand.u32 @!p2 $0x1FFFF8, s9;
	s7 =	sadd.s32 @!p2 s1, s11;
	s11 =	sadd.s32 @!p2 $0x5A48, s10  }
0xda: {  	[tilespmem:s11], [sflag:$0x2] =	stream.linear.gather @!p2 [hbm4b:s7+s3], $0x80, $0x38;
	[tilespmem:$0x1A838] =	vst v63  }
0xdb: {  	s5 =	sadd.s32 $0x1, s5;
	s9 =	sadd.s32 @!p2 s1, s9;
	s10 =	sadd.s32 @!p2 $0x5AC8, s10  }
.LBB2_17:
0xdc: {  	s0 =	smul.u32 $0x700, s2  }
0xdd: {  	[tilespmem:s10], [sflag:$0x2] =	stream.linear.gather @!p2 [hbm4b:s9+s3], $0x40, $0x38;
	[tilespmem:$0x1A838] =	vst v63  }
0xde: {  	s17 =	simm.s32 $0x2  }
.Ltmp16:
0xdf: {  	s11 =	smov.u32 s20;
	s0 =	sshrl.u32 s0, $0x2;
	(pc) =	sbr.rel .LBB2_18-.Ltmp16, $4  }
0xe0: {  	s14 =	smov.u32 s8;
	s8 =	smov.u32 s13;
	_ =	swait.ge [sflag:s17], s0  }
0xe1: {  	s13 =	smov.u32 s16;
	s20 =	simm.s32 $0xC;
	s15 =	rddreg [dreg:$0x5]  }
0xe2: {  	s0 =	ssub.s32 $0x0, s0;
	[sflag:s17] =	ssyncset.done $0x0;
	s16 =	rddreg [dreg:$0x6]  }
0xe3: {  	[sflag:s17] =	ssyncadd.s32 s0;
	s0 =	simm.s32 $0x0;
	s17 =	rddreg [dreg:$0x7]  }
.LBB2_19:
0xe4: {  	v1 =	vld [tilespmem:s29+$0xFFFFFF20];
	_ =	sdelay $0x4  }
0xe5: {  	[tilespmem:s5+$0x388] =	vst.add.f32.msk $0xffff, v1  }
0xe6: {  	v1 =	vld [tilespmem:s29+$0xFFFFFF30];
	_ =	sdelay $0x4  }
0xe7: {  	[tilespmem:s5+$0x398] =	vst.add.f32.msk $0xffff, v1  }
0xe8: {  	v1 =	vld [tilespmem:s29+$0xFFFFFF40];
	_ =	sdelay $0x4  }
0xe9: {  	[tilespmem:s5+$0x3A8] =	vst.add.f32.msk $0xffff, v1  }
0xea: {  	v1 =	vld [tilespmem:s29+$0xFFFFFF50];
	_ =	sdelay $0x4  }
0xeb: {  	[tilespmem:s5+$0x3B8] =	vst.add.f32.msk $0xffff, v1  }
0xec: {  	v1 =	vld [tilespmem:s29+$0xFFFFFF60];
	_ =	sdelay $0x4  }
0xed: {  	[tilespmem:s5+$0x3C8] =	vst.add.f32.msk $0xffff, v1  }
0xee: {  	v1 =	vld [tilespmem:s29+$0xFFFFFF70];
	_ =	sdelay $0x4  }
0xef: {  	[tilespmem:s5+$0x3D8] =	vst.add.f32.msk $0xffff, v1  }
0xf0: {  	v1 =	vld [tilespmem:s29+$0xFFFFFF80];
	_ =	sdelay $0x4  }
0xf1: {  	[tilespmem:s5+$0x3E8] =	vst.add.f32.msk $0xffff, v1  }
0xf2: {  	v1 =	vld [tilespmem:s29+$0xFFFFFF90];
	_ =	sdelay $0x4  }
0xf3: {  	[tilespmem:s5+$0x3F8] =	vst.add.f32.msk $0xffff, v1  }
0xf4: {  	v1 =	vld [tilespmem:s29+$0xFFFFFFA0];
	_ =	sdelay $0x4  }
0xf5: {  	[tilespmem:s5+$0x408] =	vst.add.f32.msk $0xffff, v1  }
0xf6: {  	v1 =	vld [tilespmem:s29+$0xFFFFFFB0];
	_ =	sdelay $0x4  }
0xf7: {  	[tilespmem:s5+$0x418] =	vst.add.f32.msk $0xffff, v1  }
0xf8: {  	v1 =	vld [tilespmem:s29+$0xFFFFFFC0];
	_ =	sdelay $0x4  }
0xf9: {  	[tilespmem:s5+$0x428] =	vst.add.f32.msk $0xffff, v1  }
0xfa: {  	v1 =	vld [tilespmem:s29+$0xFFFFFFD0];
	_ =	sdelay $0x4  }
0xfb: {  	[tilespmem:s5+$0x438] =	vst.add.f32.msk $0xffff, v1  }
0xfc: {  	v1 =	vld [tilespmem:s29+$0xFFFFFFE0];
	_ =	sdelay $0x4  }
0xfd: {  	[tilespmem:s5+$0x448] =	vst.add.f32.msk $0xffff, v1  }
0xfe: {  	v1 =	vld [tilespmem:s29+$0xFFFFFFF0];
	_ =	sdelay $0x4  }
0xff: {  	[tilespmem:s5+$0x458] =	vst.add.f32.msk $0xffff, v1  }
0x100: {  	v1 =	vld [tilespmem:s29+$0x0];
	_ =	sdelay $0x4  }
0x101: {  	[tilespmem:s5+$0x468] =	vst.add.f32.msk $0xffff, v1  }
0x102: {  	v1 =	vld [tilespmem:s29+$0x10];
	_ =	sdelay $0x4  }
0x103: {  	[tilespmem:s5+$0x478] =	vst.add.f32.msk $0xffff, v1  }
0x104: {  	v1 =	vld [tilespmem:s29+$0x20];
	_ =	sdelay $0x4  }
0x105: {  	[tilespmem:s5+$0x488] =	vst.add.f32.msk $0xffff, v1  }
0x106: {  	v1 =	vld [tilespmem:s29+$0x30];
	_ =	sdelay $0x4  }
0x107: {  	[tilespmem:s5+$0x498] =	vst.add.f32.msk $0xffff, v1  }
0x108: {  	v1 =	vld [tilespmem:s29+$0x40];
	_ =	sdelay $0x4  }
0x109: {  	[tilespmem:s5+$0x4A8] =	vst.add.f32.msk $0xffff, v1  }
0x10a: {  	v1 =	vld [tilespmem:s29+$0x50];
	_ =	sdelay $0x4  }
0x10b: {  	[tilespmem:s5+$0x4B8] =	vst.add.f32.msk $0xffff, v1  }
0x10c: {  	v1 =	vld [tilespmem:s29+$0x60];
	_ =	sdelay $0x4  }
0x10d: {  	[tilespmem:s5+$0x4C8] =	vst.add.f32.msk $0xffff, v1  }
0x10e: {  	v1 =	vld [tilespmem:s29+$0x70];
	_ =	sdelay $0x4  }
0x10f: {  	[tilespmem:s5+$0x4D8] =	vst.add.f32.msk $0xffff, v1  }
0x110: {  	v1 =	vld [tilespmem:s29+$0x80];
	_ =	sdelay $0x4  }
0x111: {  	[tilespmem:s5+$0x4E8] =	vst.add.f32.msk $0xffff, v1  }
0x112: {  	v1 =	vld [tilespmem:s29+$0x90];
	_ =	sdelay $0x4  }
0x113: {  	[tilespmem:s5+$0x4F8] =	vst.add.f32.msk $0xffff, v1  }
0x114: {  	v1 =	vld [tilespmem:s29+$0xA0];
	_ =	sdelay $0x4  }
0x115: {  	[tilespmem:s5+$0x508] =	vst.add.f32.msk $0xffff, v1  }
0x116: {  	v1 =	vld [tilespmem:s29+$0xB0];
	_ =	sdelay $0x4  }
0x117: {  	[tilespmem:s5+$0x518] =	vst.add.f32.msk $0xffff, v1  }
0x118: {  	v1 =	vld [tilespmem:s29+$0xC0];
	_ =	sdelay $0x4  }
0x119: {  	[tilespmem:s5+$0x528] =	vst.add.f32.msk $0xffff, v1  }
0x11a: {  	v1 =	vld [tilespmem:s29+$0xD0];
	_ =	sdelay $0x4  }
0x11b: {  	[tilespmem:s5+$0x538] =	vst.add.f32.msk $0xffff, v1  }
.LBB2_23:
0x11c: {  	s30 =	sadd.s32 $0x1, s30  }
0x11d: {  	p2 =	seq.s32 s30, $0x0  }
.Ltmp17:
0x11e: {  	_ = 	snop;
	(pc) =	sbr.rel @p2 .LBB2_24-.Ltmp17, $2  }
0x11f: {  	_ =	sdelay $0x2  }
0x120: {  	s25 =	sadd.s32 $0x1, s25;
	s29 =	sadd.s32 $0x200, s29;
	s31 =	smov.u32 s4  }
.LBB2_18:
0x121: {  	v1 =	vld.msk [tilespmem:s25+$0x0], $0x1;
	_ =	sdelay $0x4  }
0x122: {  	(v2sf) =	vpush v1, $0x0;
	_ =	sdelay $0xe  }
0x123: {  	s4 =	spop (v2sf)  }
0x124: {  	p2 =	sne.s32 s31, s4  }
.Ltmp18:
0x125: {  	_ = 	snop;
	(pc) =	sbr.rel @!p2 .LBB2_19-.Ltmp18, $3  }
0x126: {  	_ = 	snop  }
0x127: {  	s2 =	smul.u32 $0x700, s24;
	_ =	sdelay $0x1  }
0x128: {  	s5 =	sshra.s32 s2, $0x2  }
0x129: {  	p2 =	seq.s32 s31, s26  }
.Ltmp19:
0x12a: {  	_ = 	snop;
	(pc) =	sbr.rel @!p2 .LBB2_21-.Ltmp19, $1  }
0x12b: {  	_ =	sdelay $0x3  }
.Ltmp20:
0x12c: {  	s2 =	sadd.s32 $0x388, s5;
	(pc) =	sbr.rel .LBB2_22-.Ltmp20, $4  }
0x12d: {  	[spmem:s16] =	stream.linear.scatter [tilespmem:s2], [sflag:$0x1], $0x1C0, $0x38;
	[tilespmem:$0x1A838] =	vst v63  }
0x12e: {  	_ =	swait.ge [sflag:s12], $0x1C0  }
0x12f: {  	[sflag:s12] =	ssyncset.done $0x0  }
0x130: {  	[sflag:s12] =	ssyncadd.s32 $0xFFFFFE40  }
.LBB2_21:
0x131: {  	s2 =	smul.u32 $0x700, s28;
	_ =	sdelay $0x1  }
0x132: {  	s2 =	sshra.s32 s2, $0x2  }
0x133: {  	v1 =	vld [tilespmem:s2+$0x5948];
	_ =	sdelay $0x4  }
0x134: {  	[tilespmem:s5+$0x388] =	vst.add.f32.msk $0xffff, v1  }
0x135: {  	v1 =	vld [tilespmem:s2+$0x5958];
	_ =	sdelay $0x4  }
0x136: {  	[tilespmem:s5+$0x398] =	vst.add.f32.msk $0xffff, v1  }
0x137: {  	v1 =	vld [tilespmem:s2+$0x5968];
	_ =	sdelay $0x4  }
0x138: {  	[tilespmem:s5+$0x3A8] =	vst.add.f32.msk $0xffff, v1  }
0x139: {  	v1 =	vld [tilespmem:s2+$0x5978];
	_ =	sdelay $0x4  }
0x13a: {  	[tilespmem:s5+$0x3B8] =	vst.add.f32.msk $0xffff, v1  }
0x13b: {  	v1 =	vld [tilespmem:s2+$0x5988];
	_ =	sdelay $0x4  }
0x13c: {  	[tilespmem:s5+$0x3C8] =	vst.add.f32.msk $0xffff, v1  }
0x13d: {  	v1 =	vld [tilespmem:s2+$0x5998];
	_ =	sdelay $0x4  }
0x13e: {  	[tilespmem:s5+$0x3D8] =	vst.add.f32.msk $0xffff, v1  }
0x13f: {  	v1 =	vld [tilespmem:s2+$0x59A8];
	_ =	sdelay $0x4  }
0x140: {  	[tilespmem:s5+$0x3E8] =	vst.add.f32.msk $0xffff, v1  }
0x141: {  	v1 =	vld [tilespmem:s2+$0x59B8];
	_ =	sdelay $0x4  }
0x142: {  	[tilespmem:s5+$0x3F8] =	vst.add.f32.msk $0xffff, v1  }
0x143: {  	v1 =	vld [tilespmem:s2+$0x59C8];
	_ =	sdelay $0x4  }
0x144: {  	[tilespmem:s5+$0x408] =	vst.add.f32.msk $0xffff, v1  }
0x145: {  	v1 =	vld [tilespmem:s2+$0x59D8];
	_ =	sdelay $0x4  }
0x146: {  	[tilespmem:s5+$0x418] =	vst.add.f32.msk $0xffff, v1  }
0x147: {  	v1 =	vld [tilespmem:s2+$0x59E8];
	_ =	sdelay $0x4  }
0x148: {  	[tilespmem:s5+$0x428] =	vst.add.f32.msk $0xffff, v1  }
0x149: {  	v1 =	vld [tilespmem:s2+$0x59F8];
	_ =	sdelay $0x4  }
0x14a: {  	[tilespmem:s5+$0x438] =	vst.add.f32.msk $0xffff, v1  }
0x14b: {  	v1 =	vld [tilespmem:s2+$0x5A08];
	_ =	sdelay $0x4  }
0x14c: {  	[tilespmem:s5+$0x448] =	vst.add.f32.msk $0xffff, v1  }
0x14d: {  	v1 =	vld [tilespmem:s2+$0x5A18];
	_ =	sdelay $0x4  }
0x14e: {  	[tilespmem:s5+$0x458] =	vst.add.f32.msk $0xffff, v1  }
0x14f: {  	v1 =	vld [tilespmem:s2+$0x5A28];
	_ =	sdelay $0x4  }
0x150: {  	[tilespmem:s5+$0x468] =	vst.add.f32.msk $0xffff, v1  }
0x151: {  	v1 =	vld [tilespmem:s2+$0x5A38];
	_ =	sdelay $0x4  }
0x152: {  	[tilespmem:s5+$0x478] =	vst.add.f32.msk $0xffff, v1  }
0x153: {  	v1 =	vld [tilespmem:s2+$0x5A48];
	_ =	sdelay $0x4  }
0x154: {  	[tilespmem:s5+$0x488] =	vst.add.f32.msk $0xffff, v1  }
0x155: {  	v1 =	vld [tilespmem:s2+$0x5A58];
	_ =	sdelay $0x4  }
0x156: {  	[tilespmem:s5+$0x498] =	vst.add.f32.msk $0xffff, v1  }
0x157: {  	v1 =	vld [tilespmem:s2+$0x5A68];
	_ =	sdelay $0x4  }
0x158: {  	[tilespmem:s5+$0x4A8] =	vst.add.f32.msk $0xffff, v1  }
0x159: {  	v1 =	vld [tilespmem:s2+$0x5A78];
	_ =	sdelay $0x4  }
0x15a: {  	[tilespmem:s5+$0x4B8] =	vst.add.f32.msk $0xffff, v1  }
0x15b: {  	v1 =	vld [tilespmem:s2+$0x5A88];
	_ =	sdelay $0x4  }
0x15c: {  	[tilespmem:s5+$0x4C8] =	vst.add.f32.msk $0xffff, v1  }
0x15d: {  	v1 =	vld [tilespmem:s2+$0x5A98];
	_ =	sdelay $0x4  }
0x15e: {  	[tilespmem:s5+$0x4D8] =	vst.add.f32.msk $0xffff, v1  }
0x15f: {  	v1 =	vld [tilespmem:s2+$0x5AA8];
	_ =	sdelay $0x4  }
0x160: {  	[tilespmem:s5+$0x4E8] =	vst.add.f32.msk $0xffff, v1  }
0x161: {  	v1 =	vld [tilespmem:s2+$0x5AB8];
	_ =	sdelay $0x4  }
0x162: {  	[tilespmem:s5+$0x4F8] =	vst.add.f32.msk $0xffff, v1  }
0x163: {  	v1 =	vld [tilespmem:s2+$0x5AC8];
	_ =	sdelay $0x4  }
0x164: {  	[tilespmem:s5+$0x508] =	vst.add.f32.msk $0xffff, v1  }
0x165: {  	v1 =	vld [tilespmem:s2+$0x5AD8];
	_ =	sdelay $0x4  }
0x166: {  	[tilespmem:s5+$0x518] =	vst.add.f32.msk $0xffff, v1  }
0x167: {  	v1 =	vld [tilespmem:s2+$0x5AE8];
	_ =	sdelay $0x4  }
0x168: {  	[tilespmem:s5+$0x528] =	vst.add.f32.msk $0xffff, v1  }
0x169: {  	v1 =	vld [tilespmem:s2+$0x5AF8];
	_ =	sdelay $0x2  }
0x16a: {  	p2 =	sgt.u32 s31, $0x9C278  }
0x16b: {  	s2 =	sand.u32 @!p2 $0xFFFF8, s31  }
0x16c: {  	s3 =	sadd.s32 $0x388, s5;
	s7 =	sand.u32 @!p2 $0x7, s31;
	s2 =	sadd.s32 @!p2 s1, s2;
	[tilespmem:s5+$0x538] =	vst.add.f32.msk $0xffff, v1  }
0x16d: {  	[hbm4b:s2+s7] =	stream.linear.scatter @!p2 [tilespmem:s3], [sflag:$0xC], $0x80, $0x38;
	[tilespmem:$0x1A838] =	vst v63  }
0x16e: {  	s2 =	sadd.s32 @!p2 $0x80, s31  }
0x16f: {  	s2 =	sand.u32 @!p2 $0x1FFFF8, s2  }
0x170: {  	s3 =	sadd.s32 $0x408, s5;
	s2 =	sadd.s32 @!p2 s1, s2  }
0x171: {  	[hbm4b:s2+s7] =	stream.linear.scatter @!p2 [tilespmem:s3], [sflag:$0xC], $0x80, $0x38;
	[tilespmem:$0x1A838] =	vst v63  }
0x172: {  	s2 =	sadd.s32 @!p2 $0x100, s31  }
0x173: {  	s2 =	sand.u32 @!p2 $0x1FFFF8, s2  }
0x174: {  	s3 =	sadd.s32 $0x488, s5;
	s2 =	sadd.s32 @!p2 s1, s2  }
0x175: {  	[hbm4b:s2+s7] =	stream.linear.scatter @!p2 [tilespmem:s3], [sflag:$0xC], $0x80, $0x38;
	[tilespmem:$0x1A838] =	vst v63  }
0x176: {  	s2 =	sadd.s32 @!p2 $0x180, s31  }
0x177: {  	s2 =	sand.u32 @!p2 $0x1FFFF8, s2  }
0x178: {  	s3 =	sadd.s32 $0x508, s5;
	s2 =	sadd.s32 @!p2 s1, s2  }
0x179: {  	[hbm4b:s2+s7] =	stream.linear.scatter @!p2 [tilespmem:s3], [sflag:$0xC], $0x40, $0x38;
	[tilespmem:$0x1A838] =	vst v63  }
0x17a: {  	s2 =	simm.s32 $0x0  }
0x17b: {  	s2 =	simm.s32 @!p2 $0x700  }
0x17c: {  	s0 =	sadd.s32 s2, s0  }
.LBB2_22:
0x17d: {  	s2 =	sadd.s32 $0x1, s24  }
0x17e: {  	s3 =	smulhi.u32 $0xAAAAAAAB, s2;
	_ =	sdelay $0x1  }
0x17f: {  	s3 =	sshrl.u32 s3, $0x5  }
0x180: {  	s3 =	smul.u32 $0x30, s3  }
0x181: {  	v1 =	vld [tilespmem:s29+$0xFFFFFF20]  }
0x182: {  	s24 =	ssub.s32 s2, s3  }
0x183: {  	s2 =	smul.u32 $0x700, s24;
	_ =	sdelay $0x1  }
0x184: {  	s2 =	sshrl.u32 s2, $0x2  }
0x185: {  	[tilespmem:s2+$0x388] =	vst v1  }
0x186: {  	v1 =	vld [tilespmem:s29+$0xFFFFFF30];
	_ =	sdelay $0x4  }
0x187: {  	[tilespmem:s2+$0x398] =	vst v1  }
0x188: {  	v1 =	vld [tilespmem:s29+$0xFFFFFF40];
	_ =	sdelay $0x4  }
0x189: {  	[tilespmem:s2+$0x3A8] =	vst v1  }
0x18a: {  	v1 =	vld [tilespmem:s29+$0xFFFFFF50];
	_ =	sdelay $0x4  }
0x18b: {  	[tilespmem:s2+$0x3B8] =	vst v1  }
0x18c: {  	v1 =	vld [tilespmem:s29+$0xFFFFFF60];
	_ =	sdelay $0x4  }
0x18d: {  	[tilespmem:s2+$0x3C8] =	vst v1  }
0x18e: {  	v1 =	vld [tilespmem:s29+$0xFFFFFF70];
	_ =	sdelay $0x4  }
0x18f: {  	[tilespmem:s2+$0x3D8] =	vst v1  }
0x190: {  	v1 =	vld [tilespmem:s29+$0xFFFFFF80];
	_ =	sdelay $0x4  }
0x191: {  	[tilespmem:s2+$0x3E8] =	vst v1  }
0x192: {  	v1 =	vld [tilespmem:s29+$0xFFFFFF90];
	_ =	sdelay $0x4  }
0x193: {  	[tilespmem:s2+$0x3F8] =	vst v1  }
0x194: {  	v1 =	vld [tilespmem:s29+$0xFFFFFFA0];
	_ =	sdelay $0x4  }
0x195: {  	[tilespmem:s2+$0x408] =	vst v1  }
0x196: {  	v1 =	vld [tilespmem:s29+$0xFFFFFFB0];
	_ =	sdelay $0x4  }
0x197: {  	[tilespmem:s2+$0x418] =	vst v1  }
0x198: {  	v1 =	vld [tilespmem:s29+$0xFFFFFFC0];
	_ =	sdelay $0x4  }
0x199: {  	[tilespmem:s2+$0x428] =	vst v1  }
0x19a: {  	v1 =	vld [tilespmem:s29+$0xFFFFFFD0];
	_ =	sdelay $0x4  }
0x19b: {  	[tilespmem:s2+$0x438] =	vst v1  }
0x19c: {  	v1 =	vld [tilespmem:s29+$0xFFFFFFE0];
	_ =	sdelay $0x4  }
0x19d: {  	[tilespmem:s2+$0x448] =	vst v1  }
0x19e: {  	v1 =	vld [tilespmem:s29+$0xFFFFFFF0];
	_ =	sdelay $0x4  }
0x19f: {  	[tilespmem:s2+$0x458] =	vst v1  }
0x1a0: {  	v1 =	vld [tilespmem:s29+$0x0];
	_ =	sdelay $0x4  }
0x1a1: {  	[tilespmem:s2+$0x468] =	vst v1  }
0x1a2: {  	v1 =	vld [tilespmem:s29+$0x10];
	_ =	sdelay $0x4  }
0x1a3: {  	[tilespmem:s2+$0x478] =	vst v1  }
0x1a4: {  	v1 =	vld [tilespmem:s29+$0x20];
	_ =	sdelay $0x4  }
0x1a5: {  	[tilespmem:s2+$0x488] =	vst v1  }
0x1a6: {  	v1 =	vld [tilespmem:s29+$0x30];
	_ =	sdelay $0x4  }
0x1a7: {  	[tilespmem:s2+$0x498] =	vst v1  }
0x1a8: {  	v1 =	vld [tilespmem:s29+$0x40];
	_ =	sdelay $0x4  }
0x1a9: {  	[tilespmem:s2+$0x4A8] =	vst v1  }
0x1aa: {  	v1 =	vld [tilespmem:s29+$0x50];
	_ =	sdelay $0x4  }
0x1ab: {  	[tilespmem:s2+$0x4B8] =	vst v1  }
0x1ac: {  	v1 =	vld [tilespmem:s29+$0x60];
	_ =	sdelay $0x4  }
0x1ad: {  	[tilespmem:s2+$0x4C8] =	vst v1  }
0x1ae: {  	v1 =	vld [tilespmem:s29+$0x70];
	_ =	sdelay $0x4  }
0x1af: {  	[tilespmem:s2+$0x4D8] =	vst v1  }
0x1b0: {  	v1 =	vld [tilespmem:s29+$0x80];
	_ =	sdelay $0x4  }
0x1b1: {  	[tilespmem:s2+$0x4E8] =	vst v1  }
0x1b2: {  	v1 =	vld [tilespmem:s29+$0x90];
	_ =	sdelay $0x4  }
0x1b3: {  	[tilespmem:s2+$0x4F8] =	vst v1  }
0x1b4: {  	v1 =	vld [tilespmem:s29+$0xA0];
	_ =	sdelay $0x4  }
0x1b5: {  	[tilespmem:s2+$0x508] =	vst v1  }
0x1b6: {  	v1 =	vld [tilespmem:s29+$0xB0];
	_ =	sdelay $0x4  }
0x1b7: {  	[tilespmem:s2+$0x518] =	vst v1  }
0x1b8: {  	v1 =	vld [tilespmem:s29+$0xC0];
	_ =	sdelay $0x4  }
0x1b9: {  	[tilespmem:s2+$0x528] =	vst v1  }
0x1ba: {  	v1 =	vld [tilespmem:s29+$0xD0]  }
.Ltmp21:
0x1bb: {  	_ = 	snop;
	(pc) =	sbr.rel .LBB2_23-.Ltmp21, $2  }
0x1bc: {  	_ =	sdelay $0x2  }
0x1bd: {  	s28 =	sadd.s32 $0x1, s28;
	[tilespmem:s2+$0x538] =	vst v1  }
.LBB2_25:
.Ltmp22:
0x1be: {  	(pc) =	sbr.rel .LBB2_26-.Ltmp22, $4  }
0x1bf: {  	_ = 	snop  }
0x1c0: {  	s0 =	simm.s32 $0x2  }
0x1c1: {  	_ =	swait.ge [sflag:s0], $0x0  }
0x1c2: {  	s4 =	smov.u32 s31;
	[sflag:s0] =	ssyncset.done $0x0;
	s0 =	simm.s32 $0x0  }
.LBB2_28:
0x1c3: {  	_ =	sfence.sel $0x180000  }
0x1c4: {  	s0 =	simm.s32 $0x9;
	[bflag:$0x0] =	sbarrier.arrive $0xFFFF  }
0x1c5: {  	s24 =	simm.s32 $0xA;
	[sflag:s0] =	ssyncpa.u1 $0x1  }
0x1c6: {  	s25 =	simm.s32 $0xB;
	[sflag:s24] =	ssyncpa.u1 $0x1  }
0x1c7: {  	s26 =	simm.s32 $0x2;
	[sflag:s25] =	ssyncpa.u1 $0x1  }
0x1c8: {  	[sflag:s26] =	ssyncpa.u1 $0x1  }
0x1c9: {  	v0 =	vld [tilespmem:$0xAF08];
	_ =	sdelay $0x4  }
0x1ca: {  	(v2sf) =	vpush v0, $0x0  }
0x1cb: {  	(v2sf) =	vpush v0, $0x1  }
0x1cc: {  	(v2sf) =	vpush v0, $0x2;
	_ =	sdelay $0xc  }
0x1cd: {  	s0 =	spop (v2sf)  }
0x1ce: {  	s2 =	spop (v2sf)  }
0x1cf: {  	s3 =	smov.u32 s0;
	p0 =	sne.s32 s0, s2;
	s4 =	spop (v2sf)  }
0x1d0: {  	s3 =	simm.s32 @!p0 $0xFFFFFFFF;
	p0 =	seq.s32 s4, $0xFFFFFFFF  }
0x1d1: {  	v2 =	vimm.s32 $0x1;
	v3 =	vlaneseq.u32;
	v1 =	vmov s3;
	p1 =	sne.s32 @!p0 s0, s2  }
0x1d2: {  	s17 =	stileid.u32;
	v0 =	vperm.xlane v0, v2;
	s0 =	simm.s32 @!p0 $0x1;
	v1 =	vperm.xlane v1, v3;
	p1 =	por !p1, p0  }
0x1d3: {  	vm0 =	vcmask $0x3F04;
	s3 =	sshll.u32 s17, $0x1;
	s2 =	smul.u32 @!p0 $0x700, s4;
	s0 =	simm.s32 @p1 $0x0  }
0x1d4: {  	s6 =	simm.s32 $0xAF08;
	v0 =	vsel vm0, v1, v0;
	s0 =	sor.u32 @!p0 s0, s3  }
0x1d5: {  	s5 =	sor.u32 $0x3800, s3;
	s2 =	sshra.s32 @!p0 s2, $0x2;
	[tilespmem:$0xAF08] =	vst v0;
	s0 =	smul.u32 @!p0 $0x700, s0  }
0x1d6: {  	[spmem:s5] =	stream.linear.scatter [tilespmem:s6], [sflag:$0x1], $0x2, $0x38;
	[tilespmem:$0x1A838] =	vst v63  }
0x1d7: {  	s2 =	sadd.s32 @!p0 $0x388, s2;
	s0 =	sshrl.u32 @!p0 s0, $0x2  }
0x1d8: {  	[spmem:s0] =	stream.linear.scatter @!p0 [tilespmem:s2], [sflag:$0x1], $0x1C0, $0x38;
	[tilespmem:$0x1A838] =	vst v63  }
0x1d9: {  	s0 =	simm.s32 @!p0 $0x1C2  }
0x1da: {  	s28 =	simm.s32 $0x1;
	s0 =	simm.s32 @p0 $0x2  }
0x1db: {  	_ =	swait.ge [sflag:s28], s0  }
0x1dc: {  	s0 =	ssub.s32 $0x0, s0;
	[sflag:s28] =	ssyncset.done $0x0  }
0x1dd: {  	p0 =	sne.s32 s17, $0x0;
	[sflag:s28] =	ssyncadd.s32 s0  }
.Ltmp23:
0x1de: {  	_ =	sfence.stream.spmem;
	(pc) =	sbr.rel @p0 .LBB2_48-.Ltmp23, $4  }
0x1df: {  	s29 =	simm.s32 $0x3;
	[bflag:$0x0] =	sbarrier.arrive $0xFFFF  }
0x1e0: {  	s30 =	simm.s32 $0x4;
	[sflag:s29] =	ssyncpa.u1 $0x1  }
0x1e1: {  	s31 =	simm.s32 $0x3C;
	[sflag:s30] =	ssyncpa.u1 $0x1  }
0x1e2: {  	s16 =	rddreg [dreg:$0x4];
	[sflag:s31] =	ssyncpa.u1 $0x1  }
0x1e3: {  	_ =	sfence.stream.spmem;
	s0 =	simm.s32 $0x5  }
0x1e4: {  	s2 =	simm.s32 $0x3800;
	s3 =	simm.s32 $0xAF18;
	[sflag:s0] =	ssyncpa.u1 $0x0  }
0x1e5: {  	[tilespmem:s3], [sflag:$0x5] =	stream.linear.gather [spmem:s2], $0x20, $0x38;
	[tilespmem:$0x1A838] =	vst v63  }
0x1e6: {  	s26 =	simm.s32 $0x0;
	s28 =	simm.s32 $0xAF38  }
0x1e7: {  	[tilespmem:s28], [sflag:$0x5] =	stream.linear.gather [spmem:s26], $0x3800, $0x38;
	[tilespmem:$0x1A838] =	vst v63  }
0x1e8: {  	_ =	swait.ge [sflag:s0], $0x3820  }
0x1e9: {  	[sflag:s0] =	ssyncset.done $0x0  }
0x1ea: {  	s29 =	simm.s32 $0x0;
	[sflag:s0] =	ssyncadd.s32 $0xFFFFC7E0  }
0x1eb: {  	v0 =	vld.msk [tilespmem:s29+$0xAF18], $0x1;
	_ =	sdelay $0x1  }
0x1ec: {  	s30 =	simm.s32 $0x1  }
0x1ed: {  	v1 =	vld.msk [tilespmem:s30+$0xAF18], $0x1;
	_ =	sdelay $0x1  }
0x1ee: {  	(v2sf) =	vpush v0, $0x0;
	_ =	sdelay $0x2  }
0x1ef: {  	(v2sf) =	vpush v1, $0x0;
	_ =	sdelay $0x2  }
0x1f0: {  	s31 =	simm.s32 $0x2  }
0x1f1: {  	v0 =	vld.msk [tilespmem:s31+$0xAF18], $0x1;
	_ =	sdelay $0x2  }
0x1f2: {  	s2 =	simm.s32 $0xFFFFFFFF;
	s3 =	simm.s32 $0xFFFFFFFF;
	s0 =	simm.s32 $0xC  }
.LBB2_30:
0x1f3: {  	s4 =	smov.u32 s3;
	s5 =	smov.u32 s2  }
0x1f4: {  	s2 =	sshra.s32 s0, $0x2;
	p1 =	sne.s32 s0, $0x7C;
	s0 =	sadd.s32 $0x4, s0;
	(v2sf) =	vpush v0, $0x0  }
0x1f5: {  	v0 =	vld.msk [tilespmem:s2+$0xAF18], $0x1  }
.Ltmp24:
0x1f6: {  	(pc) =	sbr.rel @p1 .LBB2_30-.Ltmp24, $4  }
0x1f7: {  	s3 =	spop (v2sf)  }
0x1f8: {  	p2 =	sne.s32 s5, $0xFFFFFFFF;
	s2 =	smov.u32 s3  }
0x1f9: {  	p3 =	seq.s32 s3, $0xFFFFFFFF;
	s2 =	smov.u32 @p2 s5  }
0x1fa: {  	s3 =	smov.u32 @p3 s4;
	s2 =	smov.u32 @p3 s5  }
0x1fb: {  	(v2sf) =	vpush v0, $0x0;
	_ =	sdelay $0x8  }
0x1fc: {  	s0 =	spop (v2sf);
	p1 =	sne.s32 s2, $0xFFFFFFFF;
	s9 =	simm.s32 $0x6  }
0x1fd: {  	s6 =	simm.s32 $0x0;
	s10 =	simm.s32 $0xAD48;
	s4 =	smov.u32 s0  }
0x1fe: {  	s11 =	simm.s32 $0xADC8;
	p2 =	seq.s32 s0, $0xFFFFFFFF;
	s4 =	smov.u32 @p1 s2  }
0x1ff: {  	s12 =	simm.s32 $0xAE48;
	s4 =	smov.u32 @p2 s2;
	s2 =	spop (v2sf)  }
0x200: {  	s0 =	smov.u32 @p2 s3;
	p1 =	sne.s32 s4, $0xFFFFFFFF;
	s5 =	smov.u32 s2  }
.Ltmp25:
0x201: {  	p2 =	seq.s32 s2, $0xFFFFFFFF;
	s5 =	smov.u32 @p1 s4;
	(pc) =	sbr.rel .LBB2_32-.Ltmp25, $4  }
0x202: {  	s13 =	simm.s32 $0xAEC8;
	s5 =	smov.u32 @p2 s4;
	s7 =	spop (v2sf)  }
0x203: {  	s14 =	simm.s32 $0x0;
	p1 =	sne.s32 s5, $0xFFFFFFFF;
	s8 =	smov.u32 s7  }
0x204: {  	s2 =	smov.u32 @p2 s0;
	p2 =	seq.s32 s7, $0xFFFFFFFF;
	s8 =	smov.u32 @p1 s5  }
0x205: {  	[sflag:s9] =	ssyncpa.u1 $0x0;
	s7 =	smov.u32 @p2 s2;
	s8 =	smov.u32 @p2 s5  }
.LBB2_37:
0x206: {  	s0 =	smul.u32 $0x700, s14;
	_ =	sdelay $0x1  }
0x207: {  	s0 =	sshra.s32 s0, $0x2  }
0x208: {  	v0 =	vld [tilespmem:s0+$0xAF38];
	_ =	sdelay $0x1  }
0x209: {  	s2 =	smul.u32 $0x700, s4;
	_ =	sdelay $0x1  }
0x20a: {  	s2 =	sshra.s32 s2, $0x2  }
0x20b: {  	[tilespmem:s2+$0xAF38] =	vst.add.f32.msk $0xffff, v0  }
0x20c: {  	v0 =	vld [tilespmem:s0+$0xAF48];
	_ =	sdelay $0x4  }
0x20d: {  	[tilespmem:s2+$0xAF48] =	vst.add.f32.msk $0xffff, v0  }
0x20e: {  	v0 =	vld [tilespmem:s0+$0xAF58];
	_ =	sdelay $0x4  }
0x20f: {  	[tilespmem:s2+$0xAF58] =	vst.add.f32.msk $0xffff, v0  }
0x210: {  	v0 =	vld [tilespmem:s0+$0xAF68];
	_ =	sdelay $0x4  }
0x211: {  	[tilespmem:s2+$0xAF68] =	vst.add.f32.msk $0xffff, v0  }
0x212: {  	v0 =	vld [tilespmem:s0+$0xAF78];
	_ =	sdelay $0x4  }
0x213: {  	[tilespmem:s2+$0xAF78] =	vst.add.f32.msk $0xffff, v0  }
0x214: {  	v0 =	vld [tilespmem:s0+$0xAF88];
	_ =	sdelay $0x4  }
0x215: {  	[tilespmem:s2+$0xAF88] =	vst.add.f32.msk $0xffff, v0  }
0x216: {  	v0 =	vld [tilespmem:s0+$0xAF98];
	_ =	sdelay $0x4  }
0x217: {  	[tilespmem:s2+$0xAF98] =	vst.add.f32.msk $0xffff, v0  }
0x218: {  	v0 =	vld [tilespmem:s0+$0xAFA8];
	_ =	sdelay $0x4  }
0x219: {  	[tilespmem:s2+$0xAFA8] =	vst.add.f32.msk $0xffff, v0  }
0x21a: {  	v0 =	vld [tilespmem:s0+$0xAFB8];
	_ =	sdelay $0x4  }
0x21b: {  	[tilespmem:s2+$0xAFB8] =	vst.add.f32.msk $0xffff, v0  }
0x21c: {  	v0 =	vld [tilespmem:s0+$0xAFC8];
	_ =	sdelay $0x4  }
0x21d: {  	[tilespmem:s2+$0xAFC8] =	vst.add.f32.msk $0xffff, v0  }
0x21e: {  	v0 =	vld [tilespmem:s0+$0xAFD8];
	_ =	sdelay $0x4  }
0x21f: {  	[tilespmem:s2+$0xAFD8] =	vst.add.f32.msk $0xffff, v0  }
0x220: {  	v0 =	vld [tilespmem:s0+$0xAFE8];
	_ =	sdelay $0x4  }
0x221: {  	[tilespmem:s2+$0xAFE8] =	vst.add.f32.msk $0xffff, v0  }
0x222: {  	v0 =	vld [tilespmem:s0+$0xAFF8];
	_ =	sdelay $0x4  }
0x223: {  	[tilespmem:s2+$0xAFF8] =	vst.add.f32.msk $0xffff, v0  }
0x224: {  	v0 =	vld [tilespmem:s0+$0xB008];
	_ =	sdelay $0x4  }
0x225: {  	[tilespmem:s2+$0xB008] =	vst.add.f32.msk $0xffff, v0  }
0x226: {  	v0 =	vld [tilespmem:s0+$0xB018];
	_ =	sdelay $0x4  }
0x227: {  	[tilespmem:s2+$0xB018] =	vst.add.f32.msk $0xffff, v0  }
0x228: {  	v0 =	vld [tilespmem:s0+$0xB028];
	_ =	sdelay $0x4  }
0x229: {  	[tilespmem:s2+$0xB028] =	vst.add.f32.msk $0xffff, v0  }
0x22a: {  	v0 =	vld [tilespmem:s0+$0xB038];
	_ =	sdelay $0x4  }
0x22b: {  	[tilespmem:s2+$0xB038] =	vst.add.f32.msk $0xffff, v0  }
0x22c: {  	v0 =	vld [tilespmem:s0+$0xB048];
	_ =	sdelay $0x4  }
0x22d: {  	[tilespmem:s2+$0xB048] =	vst.add.f32.msk $0xffff, v0  }
0x22e: {  	v0 =	vld [tilespmem:s0+$0xB058];
	_ =	sdelay $0x4  }
0x22f: {  	[tilespmem:s2+$0xB058] =	vst.add.f32.msk $0xffff, v0  }
0x230: {  	v0 =	vld [tilespmem:s0+$0xB068];
	_ =	sdelay $0x4  }
0x231: {  	[tilespmem:s2+$0xB068] =	vst.add.f32.msk $0xffff, v0  }
0x232: {  	v0 =	vld [tilespmem:s0+$0xB078];
	_ =	sdelay $0x4  }
0x233: {  	[tilespmem:s2+$0xB078] =	vst.add.f32.msk $0xffff, v0  }
0x234: {  	v0 =	vld [tilespmem:s0+$0xB088];
	_ =	sdelay $0x4  }
0x235: {  	[tilespmem:s2+$0xB088] =	vst.add.f32.msk $0xffff, v0  }
0x236: {  	v0 =	vld [tilespmem:s0+$0xB098];
	_ =	sdelay $0x4  }
0x237: {  	[tilespmem:s2+$0xB098] =	vst.add.f32.msk $0xffff, v0  }
0x238: {  	v0 =	vld [tilespmem:s0+$0xB0A8];
	_ =	sdelay $0x4  }
0x239: {  	[tilespmem:s2+$0xB0A8] =	vst.add.f32.msk $0xffff, v0  }
0x23a: {  	v0 =	vld [tilespmem:s0+$0xB0B8];
	_ =	sdelay $0x4  }
0x23b: {  	[tilespmem:s2+$0xB0B8] =	vst.add.f32.msk $0xffff, v0  }
0x23c: {  	v0 =	vld [tilespmem:s0+$0xB0C8];
	_ =	sdelay $0x4  }
0x23d: {  	[tilespmem:s2+$0xB0C8] =	vst.add.f32.msk $0xffff, v0  }
0x23e: {  	v0 =	vld [tilespmem:s0+$0xB0D8];
	_ =	sdelay $0x4  }
0x23f: {  	[tilespmem:s2+$0xB0D8] =	vst.add.f32.msk $0xffff, v0  }
0x240: {  	v0 =	vld [tilespmem:s0+$0xB0E8];
	_ =	sdelay $0x4  }
0x241: {  	[tilespmem:s2+$0xB0E8] =	vst.add.f32.msk $0xffff, v0  }
.LBB2_42:
0x242: {  	s14 =	sadd.s32 $0x1, s14  }
0x243: {  	p1 =	sne.s32 s14, $0x20  }
.Ltmp26:
0x244: {  	_ = 	snop;
	(pc) =	sbr.rel @!p1 .LBB2_43-.Ltmp26, $1  }
0x245: {  	_ =	sdelay $0x3  }
.LBB2_32:
0x246: {  	v0 =	vld.msk [tilespmem:s14+$0xAF18], $0x1;
	_ =	sdelay $0x4  }
0x247: {  	(v2sf) =	vpush v0, $0x0;
	_ =	sdelay $0xe  }
0x248: {  	s0 =	spop (v2sf)  }
0x249: {  	p1 =	seq.s32 s0, $0xFFFFFFFF  }
.Ltmp27:
0x24a: {  	_ = 	snop;
	(pc) =	sbr.rel @p1 .LBB2_42-.Ltmp27, $1  }
0x24b: {  	_ =	sdelay $0x3  }
0x24c: {  	p1 =	slt.s32 s6, $0x1  }
.Ltmp28:
0x24d: {  	_ = 	snop;
	(pc) =	sbr.rel @p1 .LBB2_38-.Ltmp28, $1  }
0x24e: {  	_ =	sdelay $0x3  }
0x24f: {  	s2 =	simm.s32 $0xAF18;
	p1 =	por $0x0, $0x0  }
0x250: {  	v1 =	vld.msk @!p1 [tilespmem:s2+$0x0], $0x1;
	_ =	sdelay $0x4  }
0x251: {  	(v2sf) =	vpush @!p1 v1, $0x0;
	_ =	sdelay $0xd  }
0x252: {  	p3 =	sne.s32 s6, $0x1  }
.Ltmp29:
0x253: {  	s3 =	spop @!p1 (v2sf);
	(pc) =	sbr.rel @!p3 .LBB2_36-.Ltmp29, $4  }
0x254: {  	p2 =	seq.s32 @!p1 s0, s3  }
0x255: {  	s4 =	simm.s32 $0x0;
	p2 =	por !p2, p1  }
0x256: {  	s5 =	simm.s32 $0xFFFFFFFF;
	s4 =	simm.s32 @p2 $0xFFFFFFFF  }
0x257: {  	s3 =	simm.s32 $0x1;
	s4 =	smov.u32 @p1 s5  }
.LBB2_35:
0x258: {  	s5 =	smov.u32 s4;
	p1 =	sne.s32 s4, $0xFFFFFFFF  }
0x259: {  	s2 =	sadd.s32 $0x1, s2;
	s4 =	smov.u32 s3;
	s3 =	sadd.s32 $0x1, s3  }
0x25a: {  	p2 =	sne.s32 s6, s3;
	v1 =	vld.msk @!p1 [tilespmem:s2+$0x0], $0x1;
	_ =	sdelay $0x4  }
0x25b: {  	(v2sf) =	vpush @!p1 v1, $0x0;
	_ =	sdelay $0xe  }
.Ltmp30:
0x25c: {  	s15 =	spop @!p1 (v2sf);
	(pc) =	sbr.rel @p2 .LBB2_35-.Ltmp30, $4  }
0x25d: {  	p3 =	seq.s32 @!p1 s0, s15  }
0x25e: {  	p3 =	por !p3, p1  }
0x25f: {  	s4 =	simm.s32 @p3 $0xFFFFFFFF  }
0x260: {  	s4 =	smov.u32 @p1 s5  }
.LBB2_36:
0x261: {  	p1 =	seq.s32 s4, $0xFFFFFFFF  }
.Ltmp31:
0x262: {  	_ = 	snop;
	(pc) =	sbr.rel @!p1 .LBB2_37-.Ltmp31, $1  }
0x263: {  	_ =	sdelay $0x3  }
.LBB2_38:
0x264: {  	p1 =	sgt.u32 s0, $0x9C278  }
0x265: {  	p2 =	seq.s32 @!p1 s0, s8  }
0x266: {  	p1 =	por p1, p2  }
0x267: {  	p2 =	sne.s32 @!p1 s0, s7  }
0x268: {  	p1 =	por p1, !p2  }
.Ltmp32:
0x269: {  	_ = 	snop;
	(pc) =	sbr.rel @p1 .LBB2_39-.Ltmp32, $1  }
0x26a: {  	_ =	sdelay $0x3  }
0x26b: {  	s2 =	sand.u32 $0xFFFF8, s0  }
0x26c: {  	s3 =	sand.u32 $0x7, s0;
	s28 =	sadd.s32 $0x80, s0;
	s2 =	sadd.s32 s1, s2  }
0x26d: {  	[tilespmem:s10], [sflag:$0x6] =	stream.linear.gather [hbm4b:s2+s3], $0x80, $0x38;
	[tilespmem:$0x1A838] =	vst v63  }
0x26e: {  	s2 =	sand.u32 $0x1FFFF8, s28  }
0x26f: {  	s29 =	sadd.s32 $0x100, s0;
	s2 =	sadd.s32 s1, s2  }
0x270: {  	[tilespmem:s11], [sflag:$0x6] =	stream.linear.gather [hbm4b:s2+s3], $0x80, $0x38;
	[tilespmem:$0x1A838] =	vst v63  }
0x271: {  	s30 =	sadd.s32 $0x180, s0;
	s2 =	sand.u32 $0x1FFFF8, s29  }
0x272: {  	s0 =	sand.u32 $0x1FFFF8, s30;
	s2 =	sadd.s32 s1, s2  }
0x273: {  	[tilespmem:s12], [sflag:$0x6] =	stream.linear.gather [hbm4b:s2+s3], $0x80, $0x38;
	[tilespmem:$0x1A838] =	vst v63  }
0x274: {  	s0 =	sadd.s32 s1, s0  }
0x275: {  	[tilespmem:s13], [sflag:$0x6] =	stream.linear.gather [hbm4b:s0+s3], $0x40, $0x38;
	[tilespmem:$0x1A838] =	vst v63  }
0x276: {  	_ =	swait.ge [sflag:s9], $0x1C0  }
0x277: {  	[sflag:s9] =	ssyncset.done $0x0  }
0x278: {  	[sflag:s9] =	ssyncadd.s32 $0xFFFFFE40  }
0x279: {  	v1 =	vld [tilespmem:$0xAD48];
	_ =	sdelay $0x1  }
0x27a: {  	s0 =	smul.u32 $0x700, s14;
	_ =	sdelay $0x1  }
0x27b: {  	s31 =	sshra.s32 s0, $0x2  }
0x27c: {  	[tilespmem:s31+$0xAF38] =	vst.add.f32.msk $0xffff, v1  }
0x27d: {  	v1 =	vld [tilespmem:$0xAD58];
	_ =	sdelay $0x4  }
0x27e: {  	[tilespmem:s31+$0xAF48] =	vst.add.f32.msk $0xffff, v1  }
0x27f: {  	v1 =	vld [tilespmem:$0xAD68];
	_ =	sdelay $0x4  }
0x280: {  	[tilespmem:s31+$0xAF58] =	vst.add.f32.msk $0xffff, v1  }
0x281: {  	v1 =	vld [tilespmem:$0xAD78];
	_ =	sdelay $0x4  }
0x282: {  	[tilespmem:s31+$0xAF68] =	vst.add.f32.msk $0xffff, v1  }
0x283: {  	v1 =	vld [tilespmem:$0xAD88];
	_ =	sdelay $0x4  }
0x284: {  	[tilespmem:s31+$0xAF78] =	vst.add.f32.msk $0xffff, v1  }
0x285: {  	v1 =	vld [tilespmem:$0xAD98];
	_ =	sdelay $0x4  }
0x286: {  	[tilespmem:s31+$0xAF88] =	vst.add.f32.msk $0xffff, v1  }
0x287: {  	v1 =	vld [tilespmem:$0xADA8];
	_ =	sdelay $0x4  }
0x288: {  	[tilespmem:s31+$0xAF98] =	vst.add.f32.msk $0xffff, v1  }
0x289: {  	v1 =	vld [tilespmem:$0xADB8];
	_ =	sdelay $0x4  }
0x28a: {  	[tilespmem:s31+$0xAFA8] =	vst.add.f32.msk $0xffff, v1  }
0x28b: {  	v1 =	vld [tilespmem:$0xADC8];
	_ =	sdelay $0x4  }
0x28c: {  	[tilespmem:s31+$0xAFB8] =	vst.add.f32.msk $0xffff, v1  }
0x28d: {  	v1 =	vld [tilespmem:$0xADD8];
	_ =	sdelay $0x4  }
0x28e: {  	[tilespmem:s31+$0xAFC8] =	vst.add.f32.msk $0xffff, v1  }
0x28f: {  	v1 =	vld [tilespmem:$0xADE8];
	_ =	sdelay $0x4  }
0x290: {  	[tilespmem:s31+$0xAFD8] =	vst.add.f32.msk $0xffff, v1  }
0x291: {  	v1 =	vld [tilespmem:$0xADF8];
	_ =	sdelay $0x4  }
0x292: {  	[tilespmem:s31+$0xAFE8] =	vst.add.f32.msk $0xffff, v1  }
0x293: {  	v1 =	vld [tilespmem:$0xAE08];
	_ =	sdelay $0x4  }
0x294: {  	[tilespmem:s31+$0xAFF8] =	vst.add.f32.msk $0xffff, v1  }
0x295: {  	v1 =	vld [tilespmem:$0xAE18];
	_ =	sdelay $0x4  }
0x296: {  	[tilespmem:s31+$0xB008] =	vst.add.f32.msk $0xffff, v1  }
0x297: {  	v1 =	vld [tilespmem:$0xAE28];
	_ =	sdelay $0x4  }
0x298: {  	[tilespmem:s31+$0xB018] =	vst.add.f32.msk $0xffff, v1  }
0x299: {  	v1 =	vld [tilespmem:$0xAE38];
	_ =	sdelay $0x4  }
0x29a: {  	[tilespmem:s31+$0xB028] =	vst.add.f32.msk $0xffff, v1  }
0x29b: {  	v1 =	vld [tilespmem:$0xAE48];
	_ =	sdelay $0x4  }
0x29c: {  	[tilespmem:s31+$0xB038] =	vst.add.f32.msk $0xffff, v1  }
0x29d: {  	v1 =	vld [tilespmem:$0xAE58];
	_ =	sdelay $0x4  }
0x29e: {  	[tilespmem:s31+$0xB048] =	vst.add.f32.msk $0xffff, v1  }
0x29f: {  	v1 =	vld [tilespmem:$0xAE68];
	_ =	sdelay $0x4  }
0x2a0: {  	[tilespmem:s31+$0xB058] =	vst.add.f32.msk $0xffff, v1  }
0x2a1: {  	v1 =	vld [tilespmem:$0xAE78];
	_ =	sdelay $0x4  }
0x2a2: {  	[tilespmem:s31+$0xB068] =	vst.add.f32.msk $0xffff, v1  }
0x2a3: {  	v1 =	vld [tilespmem:$0xAE88];
	_ =	sdelay $0x4  }
0x2a4: {  	[tilespmem:s31+$0xB078] =	vst.add.f32.msk $0xffff, v1  }
0x2a5: {  	v1 =	vld [tilespmem:$0xAE98];
	_ =	sdelay $0x4  }
0x2a6: {  	[tilespmem:s31+$0xB088] =	vst.add.f32.msk $0xffff, v1  }
0x2a7: {  	v1 =	vld [tilespmem:$0xAEA8];
	_ =	sdelay $0x4  }
0x2a8: {  	[tilespmem:s31+$0xB098] =	vst.add.f32.msk $0xffff, v1  }
0x2a9: {  	v1 =	vld [tilespmem:$0xAEB8];
	_ =	sdelay $0x4  }
0x2aa: {  	[tilespmem:s31+$0xB0A8] =	vst.add.f32.msk $0xffff, v1  }
0x2ab: {  	v1 =	vld [tilespmem:$0xAEC8];
	_ =	sdelay $0x4  }
0x2ac: {  	[tilespmem:s31+$0xB0B8] =	vst.add.f32.msk $0xffff, v1  }
0x2ad: {  	v1 =	vld [tilespmem:$0xAED8];
	_ =	sdelay $0x4  }
0x2ae: {  	[tilespmem:s31+$0xB0C8] =	vst.add.f32.msk $0xffff, v1  }
0x2af: {  	v1 =	vld [tilespmem:$0xAEE8];
	_ =	sdelay $0x4  }
0x2b0: {  	[tilespmem:s31+$0xB0D8] =	vst.add.f32.msk $0xffff, v1  }
0x2b1: {  	v1 =	vld [tilespmem:$0xAEF8];
	_ =	sdelay $0x4  }
0x2b2: {  	[tilespmem:s31+$0xB0E8] =	vst.add.f32.msk $0xffff, v1  }
.LBB2_41:
0x2b3: {  	[tilespmem:s6+$0xAF18] =	vst.msk $0x1, v0;
	s0 =	sshra.s32 s0, $0x2  }
0x2b4: {  	v0 =	vld [tilespmem:s0+$0xAF38];
	_ =	sdelay $0x1  }
0x2b5: {  	s2 =	smul.u32 $0x700, s6;
	_ =	sdelay $0x1  }
0x2b6: {  	s2 =	sshra.s32 s2, $0x2  }
0x2b7: {  	[tilespmem:s2+$0xAF38] =	vst v0  }
0x2b8: {  	v0 =	vld [tilespmem:s0+$0xAF48];
	_ =	sdelay $0x4  }
0x2b9: {  	[tilespmem:s2+$0xAF48] =	vst v0  }
0x2ba: {  	v0 =	vld [tilespmem:s0+$0xAF58];
	_ =	sdelay $0x4  }
0x2bb: {  	[tilespmem:s2+$0xAF58] =	vst v0  }
0x2bc: {  	v0 =	vld [tilespmem:s0+$0xAF68];
	_ =	sdelay $0x4  }
0x2bd: {  	[tilespmem:s2+$0xAF68] =	vst v0  }
0x2be: {  	v0 =	vld [tilespmem:s0+$0xAF78];
	_ =	sdelay $0x4  }
0x2bf: {  	[tilespmem:s2+$0xAF78] =	vst v0  }
0x2c0: {  	v0 =	vld [tilespmem:s0+$0xAF88];
	_ =	sdelay $0x4  }
0x2c1: {  	[tilespmem:s2+$0xAF88] =	vst v0  }
0x2c2: {  	v0 =	vld [tilespmem:s0+$0xAF98];
	_ =	sdelay $0x4  }
0x2c3: {  	[tilespmem:s2+$0xAF98] =	vst v0  }
0x2c4: {  	v0 =	vld [tilespmem:s0+$0xAFA8];
	_ =	sdelay $0x4  }
0x2c5: {  	[tilespmem:s2+$0xAFA8] =	vst v0  }
0x2c6: {  	v0 =	vld [tilespmem:s0+$0xAFB8];
	_ =	sdelay $0x4  }
0x2c7: {  	[tilespmem:s2+$0xAFB8] =	vst v0  }
0x2c8: {  	v0 =	vld [tilespmem:s0+$0xAFC8];
	_ =	sdelay $0x4  }
0x2c9: {  	[tilespmem:s2+$0xAFC8] =	vst v0  }
0x2ca: {  	v0 =	vld [tilespmem:s0+$0xAFD8];
	_ =	sdelay $0x4  }
0x2cb: {  	[tilespmem:s2+$0xAFD8] =	vst v0  }
0x2cc: {  	v0 =	vld [tilespmem:s0+$0xAFE8];
	_ =	sdelay $0x4  }
0x2cd: {  	[tilespmem:s2+$0xAFE8] =	vst v0  }
0x2ce: {  	v0 =	vld [tilespmem:s0+$0xAFF8];
	_ =	sdelay $0x4  }
0x2cf: {  	[tilespmem:s2+$0xAFF8] =	vst v0  }
0x2d0: {  	v0 =	vld [tilespmem:s0+$0xB008];
	_ =	sdelay $0x4  }
0x2d1: {  	[tilespmem:s2+$0xB008] =	vst v0  }
0x2d2: {  	v0 =	vld [tilespmem:s0+$0xB018];
	_ =	sdelay $0x4  }
0x2d3: {  	[tilespmem:s2+$0xB018] =	vst v0  }
0x2d4: {  	v0 =	vld [tilespmem:s0+$0xB028];
	_ =	sdelay $0x4  }
0x2d5: {  	[tilespmem:s2+$0xB028] =	vst v0  }
0x2d6: {  	v0 =	vld [tilespmem:s0+$0xB038];
	_ =	sdelay $0x4  }
0x2d7: {  	[tilespmem:s2+$0xB038] =	vst v0  }
0x2d8: {  	v0 =	vld [tilespmem:s0+$0xB048];
	_ =	sdelay $0x4  }
0x2d9: {  	[tilespmem:s2+$0xB048] =	vst v0  }
0x2da: {  	v0 =	vld [tilespmem:s0+$0xB058];
	_ =	sdelay $0x4  }
0x2db: {  	[tilespmem:s2+$0xB058] =	vst v0  }
0x2dc: {  	v0 =	vld [tilespmem:s0+$0xB068];
	_ =	sdelay $0x4  }
0x2dd: {  	[tilespmem:s2+$0xB068] =	vst v0  }
0x2de: {  	v0 =	vld [tilespmem:s0+$0xB078];
	_ =	sdelay $0x4  }
0x2df: {  	[tilespmem:s2+$0xB078] =	vst v0  }
0x2e0: {  	v0 =	vld [tilespmem:s0+$0xB088];
	_ =	sdelay $0x4  }
0x2e1: {  	[tilespmem:s2+$0xB088] =	vst v0  }
0x2e2: {  	v0 =	vld [tilespmem:s0+$0xB098];
	_ =	sdelay $0x4  }
0x2e3: {  	[tilespmem:s2+$0xB098] =	vst v0  }
0x2e4: {  	v0 =	vld [tilespmem:s0+$0xB0A8];
	_ =	sdelay $0x4  }
0x2e5: {  	[tilespmem:s2+$0xB0A8] =	vst v0  }
0x2e6: {  	v0 =	vld [tilespmem:s0+$0xB0B8];
	_ =	sdelay $0x4  }
0x2e7: {  	[tilespmem:s2+$0xB0B8] =	vst v0  }
0x2e8: {  	v0 =	vld [tilespmem:s0+$0xB0C8];
	_ =	sdelay $0x4  }
0x2e9: {  	[tilespmem:s2+$0xB0C8] =	vst v0  }
0x2ea: {  	v0 =	vld [tilespmem:s0+$0xB0D8];
	_ =	sdelay $0x4  }
0x2eb: {  	[tilespmem:s2+$0xB0D8] =	vst v0  }
0x2ec: {  	v0 =	vld [tilespmem:s0+$0xB0E8]  }
.Ltmp33:
0x2ed: {  	_ = 	snop;
	(pc) =	sbr.rel .LBB2_42-.Ltmp33, $2  }
0x2ee: {  	_ =	sdelay $0x2  }
0x2ef: {  	s6 =	sadd.s32 $0x1, s6;
	[tilespmem:s2+$0xB0E8] =	vst v0  }
.LBB2_39:
.Ltmp34:
0x2f0: {  	(pc) =	sbr.rel .LBB2_41-.Ltmp34, $2  }
0x2f1: {  	_ =	sdelay $0x1  }
0x2f2: {  	s0 =	smul.u32 $0x700, s14;
	_ =	sdelay $0x1  }
.LBB2_43:
0x2f3: {  	s0 =	simm.s32 $0x6;
	p1 =	seq.s32 s6, $0x0  }
0x2f4: {  	[sflag:s0] =	ssyncpa.u1 $0x1;
	v0 =	vimm.s32 @p1 $0xFFFFFFFF  }
0x2f5: {  	s0 =	sadd.s32 $0xFFFFFFFF, s6;
	[tilespmem:$0xE738] =	vst @p1 v0  }
0x2f6: {  	v0 =	vld.msk @!p1 [tilespmem:s0+$0xAF18], $0x1;
	_ =	sdelay $0x1  }
0x2f7: {  	v1 =	vld.msk @!p1 [tilespmem:$0xAF18], $0x1;
	_ =	sdelay $0x2  }
0x2f8: {  	p2 =	seq.s32 @!p1 s0, $0x0;
	v0 =	vbroadcast @!p1 v0, $0x0  }
0x2f9: {  	vm0 =	vmmov @!p1 $0x1;
	p3 =	por !p2, p1  }
0x2fa: {  	p2 =	sne.s32 @!p1 s8, s7;
	v1 =	vnsel @!p1 vm0, $0xFFFFFFFF, v1;
	vm0 =	vcmask @!p1 $0x308;
	v0 =	vpsel !p3, $0xFFFFFFFF, v0  }
0x2fb: {  	p3 =	por !p2, p1;
	v0 =	vsel @!p1 vm0, v1, v0  }
0x2fc: {  	s2 =	simm.s32 @!p1 $0xAF38;
	s3 =	simm.s32 @!p1 $0x0;
	s4 =	smul.u32 @!p3 $0x700, s0;
	[tilespmem:$0xE738] =	vst @!p1 v0  }
0x2fd: {  	[spmem:s3] =	stream.linear.scatter @!p1 [tilespmem:s2], [sflag:$0x1], $0x1C0, $0x38;
	[tilespmem:$0x1A838] =	vst v63  }
0x2fe: {  	s2 =	sshra.s32 @!p3 s4, $0x2  }
0x2ff: {  	s3 =	simm.s32 @!p3 $0x1C0;
	s2 =	sadd.s32 @!p3 $0xAF38, s2  }
0x300: {  	[spmem:s3] =	stream.linear.scatter @!p3 [tilespmem:s2], [sflag:$0x1], $0x1C0, $0x38;
	[tilespmem:$0x1A838] =	vst v63  }
0x301: {  	s2 =	simm.s32 @!p3 $0x1  }
0x302: {  	_ =	swait.ge @!p3 [sflag:s2], $0x380  }
0x303: {  	p1 =	por p2, p1;
	[sflag:s2] =	ssyncset.done @!p3 $0x0  }
0x304: {  	[sflag:s2] =	ssyncadd.s32 @!p3 $0xFFFFFC80;
	s2 =	simm.s32 @!p1 $0x1  }
0x305: {  	_ =	swait.ge @!p1 [sflag:s2], $0x1C0  }
0x306: {  	s29 =	simm.s32 $0xE738;
	[sflag:s2] =	ssyncset.done @!p1 $0x0  }
0x307: {  	s30 =	simm.s32 $0x3800;
	s31 =	simm.s32 $0x1;
	[sflag:s2] =	ssyncadd.s32 @!p1 $0xFFFFFE40  }
0x308: {  	[spmem:s30] =	stream.linear.scatter [tilespmem:s29], [sflag:$0x1], $0x10, $0x38;
	[tilespmem:$0x1A838] =	vst v63  }
0x309: {  	_ =	swait.ge [sflag:s31], $0x10  }
0x30a: {  	[sflag:s31] =	ssyncset.done $0x0  }
0x30b: {  	p1 =	seq.s32 s16, $0x0;
	s9 =	rddreg [dreg:$0x1];
	[sflag:s31] =	ssyncadd.s32 $0xFFFFFFF0  }
0x30c: {  	s3 =	sshll.u32 @p1 s9, $0xE;
	s8 =	rddreg [dreg:$0x2]  }
0x30d: {  	s2 =	sadd.s32 @p1 $0x15C3C, s3;
	s3 =	sshll.u32 @p1 s8, $0x11  }
0x30e: {  	_ =	sfence.stream.spmem;
	s2 =	sor.u32 @p1 s3, s2  }
0x30f: {  	[sflag:s2] =	ssyncadd.remote.s32 @p1 $0x1;
	s2 =	simm.s32 @p1 $0x4  }
0x310: {  	s4 =	simm.s32 @!p1 $0x3C;
	s3 =	sand.u32 $0xFFFFFFFE, s9;
	_ =	swait.ge @p1 [sflag:s2], $0x72  }
0x311: {  	s5 =	simm.s32 @!p1 $0x0;
	s3 =	sadd.s32 @!p1 $0x4, s3;
	[sflag:s2] =	ssyncset.done @p1 $0x0  }
0x312: {  	s7 =	simm.s32 @!p1 $0x380;
	[sflag:s2] =	ssyncadd.s32 @p1 $0xFFFFFF8E;
	s2 =	sshll.u32 @!p1 s3, $0x1A  }
0x313: {  	s3 =	sshll.u32 @!p1 s3, $0xD;
	s2 =	sor.u32 @!p1 s2, s8;
	_ =	swait.eq @!p1 [sflag:s4], $0x1  }
0x314: {  	s3 =	sor.u32 @!p1 $0x1C04, s3;
	s4 =	simm.s32 @!p1 $0x1C03;
	s2 =	sor.u32 @!p1 $0x80004000, s2  }
0x315: {  	[spmem:s7], [sflag:s3] =	dma.general @!p1 [spmem:s5], [sflag:s4], length:$0x70, [dreg:$0x0], stride_count:$0x0, ici_dest:s2, dma_misc:DstOpCode:WRITE  }
0x316: {  	p2 =	slt.s32 s0, $0x2;
	s5 =	simm.s32 @!p1 $0x700;
	s7 =	simm.s32 @!p1 $0x702  }
0x317: {  	[spmem:s7], [sflag:s3] =	dma.general @!p1 [spmem:s5], [sflag:s4], length:$0x2, [dreg:$0x0], stride_count:$0x0, ici_dest:s2, dma_misc:DstOpCode:WRITE  }
.Ltmp35:
0x318: {  	s2 =	simm.s32 @!p1 $0x3;
	(pc) =	sbr.rel @p2 .LBB2_47-.Ltmp35, $4  }
0x319: {  	s3 =	sshll.u32 @!p1 s9, $0xE;
	_ =	swait.ge @!p1 [sflag:s2], $0x72  }
0x31a: {  	s4 =	sshll.u32 @!p1 s8, $0x11;
	s3 =	sadd.s32 @!p1 $0x11C3C, s3;
	[sflag:s2] =	ssyncset.done @!p1 $0x0  }
0x31b: {  	[sflag:s2] =	ssyncadd.s32 @!p1 $0xFFFFFF8E;
	s2 =	sor.u32 @!p1 s4, s3  }
0x31c: {  	s0 =	simm.s32 $0x0;
	[sflag:s2] =	ssyncadd.remote.s32 @!p1 $0xFFFFFFFF  }
0x31d: {  	s0 =	simm.s32 $0xAF19  }
0x31e: {  	v0 =	vld.msk [tilespmem:s0+$0x0], $0x1;
	_ =	sdelay $0x4  }
0x31f: {  	(v2sf) =	vpush v0, $0x0;
	_ =	sdelay $0xe  }
0x320: {  	s2 =	sadd.s32 $0xFFFFFFFE, s6;
	s3 =	spop (v2sf)  }
0x321: {  	s5 =	simm.s32 $0xB0F8;
	s4 =	sadd.s32 $0xFFFFFFFF, s2;
	p1 =	sgt.u32 s3, $0x9C278  }
0x322: {  	s0 =	simm.s32 $0x0;
	p2 =	sne.s32 s4, $0x0;
	s2 =	sand.u32 @!p1 $0xFFFF8, s3  }
0x323: {  	s6 =	sadd.s32 @!p1 $0x80, s3;
	s7 =	sadd.s32 @!p1 $0x100, s3;
	s8 =	sadd.s32 @!p1 s1, s2  }
0x324: {  	s2 =	sand.u32 @!p1 $0x7, s3;
	s6 =	sand.u32 @!p1 $0x1FFFF8, s6;
	s7 =	sand.u32 @!p1 $0x1FFFF8, s7  }
0x325: {  	[hbm4b:s8+s2] =	stream.linear.scatter @!p1 [tilespmem:s5], [sflag:$0x5], $0x80, $0x38;
	[tilespmem:$0x1A838] =	vst v63  }
0x326: {  	s5 =	simm.s32 @!p1 $0xB178;
	s6 =	sadd.s32 @!p1 s1, s6;
	s7 =	sadd.s32 @!p1 s1, s7  }
.Ltmp36:
0x327: {  	s8 =	sadd.s32 @!p1 $0x180, s3;
	s3 =	simm.s32 $0x0;
	(pc) =	sbr.rel @!p2 .LBB2_46-.Ltmp36, $4  }
0x328: {  	[hbm4b:s6+s2] =	stream.linear.scatter @!p1 [tilespmem:s5], [sflag:$0x5], $0x80, $0x38;
	[tilespmem:$0x1A838] =	vst v63  }
0x329: {  	s3 =	simm.s32 @!p1 $0x700;
	s8 =	sand.u32 @!p1 $0x1FFFF8, s8;
	s6 =	simm.s32 @!p1 $0xB1F8  }
0x32a: {  	[hbm4b:s7+s2] =	stream.linear.scatter @!p1 [tilespmem:s6], [sflag:$0x5], $0x80, $0x38;
	[tilespmem:$0x1A838] =	vst v63  }
0x32b: {  	s5 =	simm.s32 $0xAF1A;
	s6 =	simm.s32 $0xB2B8;
	s7 =	simm.s32 @!p1 $0xB278  }
.LBB2_45:
0x32c: {  	s4 =	sadd.s32 $0xFFFFFFFF, s4;
	s8 =	sadd.s32 @!p1 s1, s8;
	s0 =	sadd.s32 s0, s3  }
0x32d: {  	[hbm4b:s8+s2] =	stream.linear.scatter @!p1 [tilespmem:s7], [sflag:$0x5], $0x40, $0x38;
	[tilespmem:$0x1A838] =	vst v63  }
0x32e: {  	p2 =	sne.s32 s4, $0x0;
	s7 =	smov.u32 s6;
	v0 =	vld.msk [tilespmem:s5+$0x0], $0x1;
	_ =	sdelay $0x4  }
0x32f: {  	(v2sf) =	vpush v0, $0x0;
	_ =	sdelay $0xe  }
0x330: {  	s3 =	spop (v2sf)  }
0x331: {  	s6 =	sadd.s32 $0x1C0, s6;
	s5 =	sadd.s32 $0x1, s5;
	p1 =	sgt.u32 s3, $0x9C278  }
0x332: {  	s2 =	sand.u32 @!p1 $0xFFFF8, s3;
	s8 =	sadd.s32 @!p1 $0x80, s3;
	s9 =	sadd.s32 @!p1 $0x100, s3  }
0x333: {  	s10 =	sadd.s32 @!p1 s1, s2;
	s2 =	sand.u32 @!p1 $0x7, s3;
	s8 =	sand.u32 @!p1 $0x1FFFF8, s8  }
0x334: {  	[hbm4b:s10+s2] =	stream.linear.scatter @!p1 [tilespmem:s7], [sflag:$0x5], $0x80, $0x38;
	[tilespmem:$0x1A838] =	vst v63  }
0x335: {  	s9 =	sand.u32 @!p1 $0x1FFFF8, s9;
	s10 =	sadd.s32 @!p1 $0x80, s7  }
.Ltmp37:
0x336: {  	s8 =	sadd.s32 @!p1 s1, s8;
	s9 =	sadd.s32 @!p1 s1, s9;
	(pc) =	sbr.rel @p2 .LBB2_45-.Ltmp37, $4  }
0x337: {  	[hbm4b:s8+s2] =	stream.linear.scatter @!p1 [tilespmem:s10], [sflag:$0x5], $0x80, $0x38;
	[tilespmem:$0x1A838] =	vst v63  }
0x338: {  	s8 =	sadd.s32 @!p1 $0x100, s7;
	s10 =	sadd.s32 @!p1 $0x180, s3;
	s3 =	simm.s32 $0x0  }
0x339: {  	[hbm4b:s9+s2] =	stream.linear.scatter @!p1 [tilespmem:s8], [sflag:$0x5], $0x80, $0x38;
	[tilespmem:$0x1A838] =	vst v63  }
0x33a: {  	s7 =	sadd.s32 @!p1 $0x180, s7;
	s3 =	simm.s32 @!p1 $0x700;
	s8 =	sand.u32 @!p1 $0x1FFFF8, s10  }
.LBB2_46:
0x33b: {  	s4 =	sadd.s32 @!p1 s1, s8;
	s0 =	sadd.s32 s0, s3  }
0x33c: {  	[hbm4b:s4+s2] =	stream.linear.scatter @!p1 [tilespmem:s7], [sflag:$0x5], $0x40, $0x38;
	[tilespmem:$0x1A838] =	vst v63  }
0x33d: {  	s0 =	sshrl.u32 s0, $0x2  }
.LBB2_47:
0x33e: {  	s2 =	simm.s32 $0x5  }
0x33f: {  	_ =	swait.ge [sflag:s2], s0  }
0x340: {  	s31 =	ssub.s32 $0x0, s0;
	[sflag:s2] =	ssyncset.done $0x0  }
0x341: {  	[sflag:s2] =	ssyncadd.s32 s31  }
0x342: {  	[sflag:s2] =	ssyncpa.u1 $0x1  }
.LBB2_48:
0x343: {  	s0 =	sor.u32 s16, s17  }
0x344: {  	p1 =	sne.s32 s0, $0x0  }
.Ltmp38:
0x345: {  	_ = 	snop;
	(pc) =	sbr.rel @p1 .LBB2_66-.Ltmp38, $3  }
0x346: {  	_ =	sdelay $0x1  }
0x347: {  	[bflag:$0x0] =	sbarrier.arrive $0xFFFF  }
0x348: {  	_ =	sfence  }
0x349: {  	s0 =	simm.s32 $0x7  }
0x34a: {  	s2 =	simm.s32 $0x3800;
	s3 =	simm.s32 $0xAF18;
	[sflag:s0] =	ssyncpa.u1 $0x0  }
0x34b: {  	[tilespmem:s3], [sflag:$0x7] =	stream.linear.gather [spmem:s2], $0x20, $0x38;
	[tilespmem:$0x1A838] =	vst v63  }
0x34c: {  	s31 =	simm.s32 $0xAF38;
	s2 =	simm.s32 $0x0  }
0x34d: {  	[tilespmem:s31], [sflag:$0x7] =	stream.linear.gather [spmem:s2], $0x3800, $0x38;
	[tilespmem:$0x1A838] =	vst v63  }
.Ltmp39:
0x34e: {  	_ = 	snop;
	(pc) =	sbr.rel .LBB2_50-.Ltmp39, $4  }
0x34f: {  	_ =	swait.ge [sflag:s0], $0x3820  }
0x350: {  	s4 =	simm.s32 $0xAD48;
	s5 =	simm.s32 $0xADC8;
	[sflag:s0] =	ssyncset.done $0x0  }
0x351: {  	s6 =	simm.s32 $0xAE48;
	s3 =	simm.s32 $0x8;
	[sflag:s0] =	ssyncadd.s32 $0xFFFFC7E0  }
0x352: {  	s7 =	simm.s32 $0xAEC8;
	s8 =	simm.s32 $0x0;
	[sflag:s3] =	ssyncpa.u1 $0x0  }
.LBB2_58:
0x353: {  	s9 =	sand.u32 $0xFFFF8, s0  }
0x354: {  	s10 =	sand.u32 $0x7, s0;
	s28 =	sadd.s32 $0x80, s0;
	s9 =	sadd.s32 s1, s9  }
0x355: {  	[tilespmem:s4], [sflag:$0x8] =	stream.linear.gather [hbm4b:s9+s10], $0x80, $0x38;
	[tilespmem:$0x1A838] =	vst v63  }
0x356: {  	s9 =	sand.u32 $0x1FFFF8, s28  }
0x357: {  	s29 =	sadd.s32 $0x100, s0;
	s9 =	sadd.s32 s1, s9  }
0x358: {  	[tilespmem:s5], [sflag:$0x8] =	stream.linear.gather [hbm4b:s9+s10], $0x80, $0x38;
	[tilespmem:$0x1A838] =	vst v63  }
0x359: {  	s30 =	sadd.s32 $0x180, s0;
	s9 =	sand.u32 $0x1FFFF8, s29  }
0x35a: {  	s0 =	sand.u32 $0x1FFFF8, s30;
	s9 =	sadd.s32 s1, s9  }
0x35b: {  	[tilespmem:s6], [sflag:$0x8] =	stream.linear.gather [hbm4b:s9+s10], $0x80, $0x38;
	[tilespmem:$0x1A838] =	vst v63  }
0x35c: {  	s0 =	sadd.s32 s1, s0  }
0x35d: {  	[tilespmem:s7], [sflag:$0x8] =	stream.linear.gather [hbm4b:s0+s10], $0x40, $0x38;
	[tilespmem:$0x1A838] =	vst v63  }
0x35e: {  	_ =	swait.ge [sflag:s3], $0x1C0  }
0x35f: {  	[sflag:s3] =	ssyncset.done $0x0  }
0x360: {  	[sflag:s3] =	ssyncadd.s32 $0xFFFFFE40  }
0x361: {  	v1 =	vld [tilespmem:$0xAD48];
	_ =	sdelay $0x1  }
0x362: {  	s0 =	smul.u32 $0x700, s8;
	_ =	sdelay $0x1  }
0x363: {  	s31 =	sshra.s32 s0, $0x2  }
0x364: {  	[tilespmem:s31+$0xAF38] =	vst.add.f32.msk $0xffff, v1  }
0x365: {  	v1 =	vld [tilespmem:$0xAD58];
	_ =	sdelay $0x4  }
0x366: {  	[tilespmem:s31+$0xAF48] =	vst.add.f32.msk $0xffff, v1  }
0x367: {  	v1 =	vld [tilespmem:$0xAD68];
	_ =	sdelay $0x4  }
0x368: {  	[tilespmem:s31+$0xAF58] =	vst.add.f32.msk $0xffff, v1  }
0x369: {  	v1 =	vld [tilespmem:$0xAD78];
	_ =	sdelay $0x4  }
0x36a: {  	[tilespmem:s31+$0xAF68] =	vst.add.f32.msk $0xffff, v1  }
0x36b: {  	v1 =	vld [tilespmem:$0xAD88];
	_ =	sdelay $0x4  }
0x36c: {  	[tilespmem:s31+$0xAF78] =	vst.add.f32.msk $0xffff, v1  }
0x36d: {  	v1 =	vld [tilespmem:$0xAD98];
	_ =	sdelay $0x4  }
0x36e: {  	[tilespmem:s31+$0xAF88] =	vst.add.f32.msk $0xffff, v1  }
0x36f: {  	v1 =	vld [tilespmem:$0xADA8];
	_ =	sdelay $0x4  }
0x370: {  	[tilespmem:s31+$0xAF98] =	vst.add.f32.msk $0xffff, v1  }
0x371: {  	v1 =	vld [tilespmem:$0xADB8];
	_ =	sdelay $0x4  }
0x372: {  	[tilespmem:s31+$0xAFA8] =	vst.add.f32.msk $0xffff, v1  }
0x373: {  	v1 =	vld [tilespmem:$0xADC8];
	_ =	sdelay $0x4  }
0x374: {  	[tilespmem:s31+$0xAFB8] =	vst.add.f32.msk $0xffff, v1  }
0x375: {  	v1 =	vld [tilespmem:$0xADD8];
	_ =	sdelay $0x4  }
0x376: {  	[tilespmem:s31+$0xAFC8] =	vst.add.f32.msk $0xffff, v1  }
0x377: {  	v1 =	vld [tilespmem:$0xADE8];
	_ =	sdelay $0x4  }
0x378: {  	[tilespmem:s31+$0xAFD8] =	vst.add.f32.msk $0xffff, v1  }
0x379: {  	v1 =	vld [tilespmem:$0xADF8];
	_ =	sdelay $0x4  }
0x37a: {  	[tilespmem:s31+$0xAFE8] =	vst.add.f32.msk $0xffff, v1  }
0x37b: {  	v1 =	vld [tilespmem:$0xAE08];
	_ =	sdelay $0x4  }
0x37c: {  	[tilespmem:s31+$0xAFF8] =	vst.add.f32.msk $0xffff, v1  }
0x37d: {  	v1 =	vld [tilespmem:$0xAE18];
	_ =	sdelay $0x4  }
0x37e: {  	[tilespmem:s31+$0xB008] =	vst.add.f32.msk $0xffff, v1  }
0x37f: {  	v1 =	vld [tilespmem:$0xAE28];
	_ =	sdelay $0x4  }
0x380: {  	[tilespmem:s31+$0xB018] =	vst.add.f32.msk $0xffff, v1  }
0x381: {  	v1 =	vld [tilespmem:$0xAE38];
	_ =	sdelay $0x4  }
0x382: {  	[tilespmem:s31+$0xB028] =	vst.add.f32.msk $0xffff, v1  }
0x383: {  	v1 =	vld [tilespmem:$0xAE48];
	_ =	sdelay $0x4  }
0x384: {  	[tilespmem:s31+$0xB038] =	vst.add.f32.msk $0xffff, v1  }
0x385: {  	v1 =	vld [tilespmem:$0xAE58];
	_ =	sdelay $0x4  }
0x386: {  	[tilespmem:s31+$0xB048] =	vst.add.f32.msk $0xffff, v1  }
0x387: {  	v1 =	vld [tilespmem:$0xAE68];
	_ =	sdelay $0x4  }
0x388: {  	[tilespmem:s31+$0xB058] =	vst.add.f32.msk $0xffff, v1  }
0x389: {  	v1 =	vld [tilespmem:$0xAE78];
	_ =	sdelay $0x4  }
0x38a: {  	[tilespmem:s31+$0xB068] =	vst.add.f32.msk $0xffff, v1  }
0x38b: {  	v1 =	vld [tilespmem:$0xAE88];
	_ =	sdelay $0x4  }
0x38c: {  	[tilespmem:s31+$0xB078] =	vst.add.f32.msk $0xffff, v1  }
0x38d: {  	v1 =	vld [tilespmem:$0xAE98];
	_ =	sdelay $0x4  }
0x38e: {  	[tilespmem:s31+$0xB088] =	vst.add.f32.msk $0xffff, v1  }
0x38f: {  	v1 =	vld [tilespmem:$0xAEA8];
	_ =	sdelay $0x4  }
0x390: {  	[tilespmem:s31+$0xB098] =	vst.add.f32.msk $0xffff, v1  }
0x391: {  	v1 =	vld [tilespmem:$0xAEB8];
	_ =	sdelay $0x4  }
0x392: {  	[tilespmem:s31+$0xB0A8] =	vst.add.f32.msk $0xffff, v1  }
0x393: {  	v1 =	vld [tilespmem:$0xAEC8];
	_ =	sdelay $0x4  }
0x394: {  	[tilespmem:s31+$0xB0B8] =	vst.add.f32.msk $0xffff, v1  }
0x395: {  	v1 =	vld [tilespmem:$0xAED8];
	_ =	sdelay $0x4  }
0x396: {  	[tilespmem:s31+$0xB0C8] =	vst.add.f32.msk $0xffff, v1  }
0x397: {  	v1 =	vld [tilespmem:$0xAEE8];
	_ =	sdelay $0x4  }
0x398: {  	[tilespmem:s31+$0xB0D8] =	vst.add.f32.msk $0xffff, v1  }
0x399: {  	v1 =	vld [tilespmem:$0xAEF8];
	_ =	sdelay $0x4  }
0x39a: {  	[tilespmem:s31+$0xB0E8] =	vst.add.f32.msk $0xffff, v1  }
.LBB2_59:
0x39b: {  	[tilespmem:s2+$0xAF18] =	vst.msk $0x1, v0;
	s0 =	sshra.s32 s0, $0x2  }
0x39c: {  	v0 =	vld [tilespmem:s0+$0xAF38];
	_ =	sdelay $0x1  }
0x39d: {  	s9 =	smul.u32 $0x700, s2;
	_ =	sdelay $0x1  }
0x39e: {  	s9 =	sshra.s32 s9, $0x2  }
0x39f: {  	[tilespmem:s9+$0xAF38] =	vst v0  }
0x3a0: {  	v0 =	vld [tilespmem:s0+$0xAF48];
	_ =	sdelay $0x4  }
0x3a1: {  	[tilespmem:s9+$0xAF48] =	vst v0  }
0x3a2: {  	v0 =	vld [tilespmem:s0+$0xAF58];
	_ =	sdelay $0x4  }
0x3a3: {  	[tilespmem:s9+$0xAF58] =	vst v0  }
0x3a4: {  	v0 =	vld [tilespmem:s0+$0xAF68];
	_ =	sdelay $0x4  }
0x3a5: {  	[tilespmem:s9+$0xAF68] =	vst v0  }
0x3a6: {  	v0 =	vld [tilespmem:s0+$0xAF78];
	_ =	sdelay $0x4  }
0x3a7: {  	[tilespmem:s9+$0xAF78] =	vst v0  }
0x3a8: {  	v0 =	vld [tilespmem:s0+$0xAF88];
	_ =	sdelay $0x4  }
0x3a9: {  	[tilespmem:s9+$0xAF88] =	vst v0  }
0x3aa: {  	v0 =	vld [tilespmem:s0+$0xAF98];
	_ =	sdelay $0x4  }
0x3ab: {  	[tilespmem:s9+$0xAF98] =	vst v0  }
0x3ac: {  	v0 =	vld [tilespmem:s0+$0xAFA8];
	_ =	sdelay $0x4  }
0x3ad: {  	[tilespmem:s9+$0xAFA8] =	vst v0  }
0x3ae: {  	v0 =	vld [tilespmem:s0+$0xAFB8];
	_ =	sdelay $0x4  }
0x3af: {  	[tilespmem:s9+$0xAFB8] =	vst v0  }
0x3b0: {  	v0 =	vld [tilespmem:s0+$0xAFC8];
	_ =	sdelay $0x4  }
0x3b1: {  	[tilespmem:s9+$0xAFC8] =	vst v0  }
0x3b2: {  	v0 =	vld [tilespmem:s0+$0xAFD8];
	_ =	sdelay $0x4  }
0x3b3: {  	[tilespmem:s9+$0xAFD8] =	vst v0  }
0x3b4: {  	v0 =	vld [tilespmem:s0+$0xAFE8];
	_ =	sdelay $0x4  }
0x3b5: {  	[tilespmem:s9+$0xAFE8] =	vst v0  }
0x3b6: {  	v0 =	vld [tilespmem:s0+$0xAFF8];
	_ =	sdelay $0x4  }
0x3b7: {  	[tilespmem:s9+$0xAFF8] =	vst v0  }
0x3b8: {  	v0 =	vld [tilespmem:s0+$0xB008];
	_ =	sdelay $0x4  }
0x3b9: {  	[tilespmem:s9+$0xB008] =	vst v0  }
0x3ba: {  	v0 =	vld [tilespmem:s0+$0xB018];
	_ =	sdelay $0x4  }
0x3bb: {  	[tilespmem:s9+$0xB018] =	vst v0  }
0x3bc: {  	v0 =	vld [tilespmem:s0+$0xB028];
	_ =	sdelay $0x4  }
0x3bd: {  	[tilespmem:s9+$0xB028] =	vst v0  }
0x3be: {  	v0 =	vld [tilespmem:s0+$0xB038];
	_ =	sdelay $0x4  }
0x3bf: {  	[tilespmem:s9+$0xB038] =	vst v0  }
0x3c0: {  	v0 =	vld [tilespmem:s0+$0xB048];
	_ =	sdelay $0x4  }
0x3c1: {  	[tilespmem:s9+$0xB048] =	vst v0  }
0x3c2: {  	v0 =	vld [tilespmem:s0+$0xB058];
	_ =	sdelay $0x4  }
0x3c3: {  	[tilespmem:s9+$0xB058] =	vst v0  }
0x3c4: {  	v0 =	vld [tilespmem:s0+$0xB068];
	_ =	sdelay $0x4  }
0x3c5: {  	[tilespmem:s9+$0xB068] =	vst v0  }
0x3c6: {  	v0 =	vld [tilespmem:s0+$0xB078];
	_ =	sdelay $0x4  }
0x3c7: {  	[tilespmem:s9+$0xB078] =	vst v0  }
0x3c8: {  	v0 =	vld [tilespmem:s0+$0xB088];
	_ =	sdelay $0x4  }
0x3c9: {  	[tilespmem:s9+$0xB088] =	vst v0  }
0x3ca: {  	v0 =	vld [tilespmem:s0+$0xB098];
	_ =	sdelay $0x4  }
0x3cb: {  	[tilespmem:s9+$0xB098] =	vst v0  }
0x3cc: {  	v0 =	vld [tilespmem:s0+$0xB0A8];
	_ =	sdelay $0x4  }
0x3cd: {  	[tilespmem:s9+$0xB0A8] =	vst v0  }
0x3ce: {  	v0 =	vld [tilespmem:s0+$0xB0B8];
	_ =	sdelay $0x4  }
0x3cf: {  	[tilespmem:s9+$0xB0B8] =	vst v0  }
0x3d0: {  	v0 =	vld [tilespmem:s0+$0xB0C8];
	_ =	sdelay $0x4  }
0x3d1: {  	[tilespmem:s9+$0xB0C8] =	vst v0  }
0x3d2: {  	v0 =	vld [tilespmem:s0+$0xB0D8];
	_ =	sdelay $0x4  }
0x3d3: {  	[tilespmem:s9+$0xB0D8] =	vst v0  }
0x3d4: {  	v0 =	vld [tilespmem:s0+$0xB0E8];
	_ =	sdelay $0x4  }
0x3d5: {  	s2 =	sadd.s32 $0x1, s2;
	[tilespmem:s9+$0xB0E8] =	vst v0  }
.LBB2_60:
0x3d6: {  	s8 =	sadd.s32 $0x1, s8  }
0x3d7: {  	p1 =	sne.s32 s8, $0x20  }
.Ltmp40:
0x3d8: {  	_ = 	snop;
	(pc) =	sbr.rel @!p1 .LBB2_61-.Ltmp40, $1  }
0x3d9: {  	_ =	sdelay $0x3  }
.LBB2_50:
0x3da: {  	v0 =	vld.msk [tilespmem:s8+$0xAF18], $0x1;
	_ =	sdelay $0x4  }
0x3db: {  	(v2sf) =	vpush v0, $0x0;
	_ =	sdelay $0xe  }
0x3dc: {  	s0 =	spop (v2sf)  }
0x3dd: {  	p1 =	seq.s32 s0, $0xFFFFFFFF  }
.Ltmp41:
0x3de: {  	_ = 	snop;
	(pc) =	sbr.rel @p1 .LBB2_60-.Ltmp41, $1  }
0x3df: {  	_ =	sdelay $0x3  }
0x3e0: {  	p1 =	slt.s32 s2, $0x1  }
.Ltmp42:
0x3e1: {  	_ = 	snop;
	(pc) =	sbr.rel @p1 .LBB2_56-.Ltmp42, $1  }
0x3e2: {  	_ =	sdelay $0x3  }
0x3e3: {  	s9 =	simm.s32 $0xAF18;
	p1 =	por $0x0, $0x0  }
0x3e4: {  	v1 =	vld.msk @!p1 [tilespmem:s9+$0x0], $0x1;
	_ =	sdelay $0x4  }
0x3e5: {  	(v2sf) =	vpush @!p1 v1, $0x0;
	_ =	sdelay $0xd  }
0x3e6: {  	p3 =	sne.s32 s2, $0x1  }
.Ltmp43:
0x3e7: {  	s10 =	spop @!p1 (v2sf);
	(pc) =	sbr.rel @!p3 .LBB2_54-.Ltmp43, $4  }
0x3e8: {  	p2 =	seq.s32 @!p1 s0, s10  }
0x3e9: {  	s10 =	simm.s32 $0x0;
	p2 =	por !p2, p1  }
0x3ea: {  	s12 =	simm.s32 $0xFFFFFFFF;
	s10 =	simm.s32 @p2 $0xFFFFFFFF  }
0x3eb: {  	s11 =	simm.s32 $0x1;
	s10 =	smov.u32 @p1 s12  }
.LBB2_53:
0x3ec: {  	s12 =	smov.u32 s10;
	p1 =	sne.s32 s10, $0xFFFFFFFF  }
0x3ed: {  	s9 =	sadd.s32 $0x1, s9;
	s10 =	smov.u32 s11;
	s11 =	sadd.s32 $0x1, s11  }
0x3ee: {  	p2 =	sne.s32 s2, s11;
	v1 =	vld.msk @!p1 [tilespmem:s9+$0x0], $0x1;
	_ =	sdelay $0x4  }
0x3ef: {  	(v2sf) =	vpush @!p1 v1, $0x0;
	_ =	sdelay $0xe  }
.Ltmp44:
0x3f0: {  	s13 =	spop @!p1 (v2sf);
	(pc) =	sbr.rel @p2 .LBB2_53-.Ltmp44, $4  }
0x3f1: {  	p3 =	seq.s32 @!p1 s0, s13  }
0x3f2: {  	p3 =	por !p3, p1  }
0x3f3: {  	s10 =	simm.s32 @p3 $0xFFFFFFFF  }
0x3f4: {  	s10 =	smov.u32 @p1 s12  }
.LBB2_54:
0x3f5: {  	p1 =	seq.s32 s10, $0xFFFFFFFF  }
.Ltmp45:
0x3f6: {  	_ = 	snop;
	(pc) =	sbr.rel @p1 .LBB2_56-.Ltmp45, $1  }
0x3f7: {  	_ =	sdelay $0x3  }
0x3f8: {  	s0 =	smul.u32 $0x700, s8;
	_ =	sdelay $0x1  }
0x3f9: {  	s0 =	sshra.s32 s0, $0x2  }
0x3fa: {  	v0 =	vld [tilespmem:s0+$0xAF38];
	_ =	sdelay $0x1  }
0x3fb: {  	s9 =	smul.u32 $0x700, s10;
	_ =	sdelay $0x1  }
0x3fc: {  	s9 =	sshra.s32 s9, $0x2  }
0x3fd: {  	[tilespmem:s9+$0xAF38] =	vst.add.f32.msk $0xffff, v0  }
0x3fe: {  	v0 =	vld [tilespmem:s0+$0xAF48];
	_ =	sdelay $0x4  }
0x3ff: {  	[tilespmem:s9+$0xAF48] =	vst.add.f32.msk $0xffff, v0  }
0x400: {  	v0 =	vld [tilespmem:s0+$0xAF58];
	_ =	sdelay $0x4  }
0x401: {  	[tilespmem:s9+$0xAF58] =	vst.add.f32.msk $0xffff, v0  }
0x402: {  	v0 =	vld [tilespmem:s0+$0xAF68];
	_ =	sdelay $0x4  }
0x403: {  	[tilespmem:s9+$0xAF68] =	vst.add.f32.msk $0xffff, v0  }
0x404: {  	v0 =	vld [tilespmem:s0+$0xAF78];
	_ =	sdelay $0x4  }
0x405: {  	[tilespmem:s9+$0xAF78] =	vst.add.f32.msk $0xffff, v0  }
0x406: {  	v0 =	vld [tilespmem:s0+$0xAF88];
	_ =	sdelay $0x4  }
0x407: {  	[tilespmem:s9+$0xAF88] =	vst.add.f32.msk $0xffff, v0  }
0x408: {  	v0 =	vld [tilespmem:s0+$0xAF98];
	_ =	sdelay $0x4  }
0x409: {  	[tilespmem:s9+$0xAF98] =	vst.add.f32.msk $0xffff, v0  }
0x40a: {  	v0 =	vld [tilespmem:s0+$0xAFA8];
	_ =	sdelay $0x4  }
0x40b: {  	[tilespmem:s9+$0xAFA8] =	vst.add.f32.msk $0xffff, v0  }
0x40c: {  	v0 =	vld [tilespmem:s0+$0xAFB8];
	_ =	sdelay $0x4  }
0x40d: {  	[tilespmem:s9+$0xAFB8] =	vst.add.f32.msk $0xffff, v0  }
0x40e: {  	v0 =	vld [tilespmem:s0+$0xAFC8];
	_ =	sdelay $0x4  }
0x40f: {  	[tilespmem:s9+$0xAFC8] =	vst.add.f32.msk $0xffff, v0  }
0x410: {  	v0 =	vld [tilespmem:s0+$0xAFD8];
	_ =	sdelay $0x4  }
0x411: {  	[tilespmem:s9+$0xAFD8] =	vst.add.f32.msk $0xffff, v0  }
0x412: {  	v0 =	vld [tilespmem:s0+$0xAFE8];
	_ =	sdelay $0x4  }
0x413: {  	[tilespmem:s9+$0xAFE8] =	vst.add.f32.msk $0xffff, v0  }
0x414: {  	v0 =	vld [tilespmem:s0+$0xAFF8];
	_ =	sdelay $0x4  }
0x415: {  	[tilespmem:s9+$0xAFF8] =	vst.add.f32.msk $0xffff, v0  }
0x416: {  	v0 =	vld [tilespmem:s0+$0xB008];
	_ =	sdelay $0x4  }
0x417: {  	[tilespmem:s9+$0xB008] =	vst.add.f32.msk $0xffff, v0  }
0x418: {  	v0 =	vld [tilespmem:s0+$0xB018];
	_ =	sdelay $0x4  }
0x419: {  	[tilespmem:s9+$0xB018] =	vst.add.f32.msk $0xffff, v0  }
0x41a: {  	v0 =	vld [tilespmem:s0+$0xB028];
	_ =	sdelay $0x4  }
0x41b: {  	[tilespmem:s9+$0xB028] =	vst.add.f32.msk $0xffff, v0  }
0x41c: {  	v0 =	vld [tilespmem:s0+$0xB038];
	_ =	sdelay $0x4  }
0x41d: {  	[tilespmem:s9+$0xB038] =	vst.add.f32.msk $0xffff, v0  }
0x41e: {  	v0 =	vld [tilespmem:s0+$0xB048];
	_ =	sdelay $0x4  }
0x41f: {  	[tilespmem:s9+$0xB048] =	vst.add.f32.msk $0xffff, v0  }
0x420: {  	v0 =	vld [tilespmem:s0+$0xB058];
	_ =	sdelay $0x4  }
0x421: {  	[tilespmem:s9+$0xB058] =	vst.add.f32.msk $0xffff, v0  }
0x422: {  	v0 =	vld [tilespmem:s0+$0xB068];
	_ =	sdelay $0x4  }
0x423: {  	[tilespmem:s9+$0xB068] =	vst.add.f32.msk $0xffff, v0  }
0x424: {  	v0 =	vld [tilespmem:s0+$0xB078];
	_ =	sdelay $0x4  }
0x425: {  	[tilespmem:s9+$0xB078] =	vst.add.f32.msk $0xffff, v0  }
0x426: {  	v0 =	vld [tilespmem:s0+$0xB088];
	_ =	sdelay $0x4  }
0x427: {  	[tilespmem:s9+$0xB088] =	vst.add.f32.msk $0xffff, v0  }
0x428: {  	v0 =	vld [tilespmem:s0+$0xB098];
	_ =	sdelay $0x4  }
0x429: {  	[tilespmem:s9+$0xB098] =	vst.add.f32.msk $0xffff, v0  }
0x42a: {  	v0 =	vld [tilespmem:s0+$0xB0A8];
	_ =	sdelay $0x4  }
0x42b: {  	[tilespmem:s9+$0xB0A8] =	vst.add.f32.msk $0xffff, v0  }
0x42c: {  	v0 =	vld [tilespmem:s0+$0xB0B8];
	_ =	sdelay $0x4  }
0x42d: {  	[tilespmem:s9+$0xB0B8] =	vst.add.f32.msk $0xffff, v0  }
0x42e: {  	v0 =	vld [tilespmem:s0+$0xB0C8];
	_ =	sdelay $0x4  }
0x42f: {  	[tilespmem:s9+$0xB0C8] =	vst.add.f32.msk $0xffff, v0  }
0x430: {  	v0 =	vld [tilespmem:s0+$0xB0D8];
	_ =	sdelay $0x4  }
0x431: {  	[tilespmem:s9+$0xB0D8] =	vst.add.f32.msk $0xffff, v0  }
0x432: {  	v0 =	vld [tilespmem:s0+$0xB0E8]  }
.Ltmp46:
0x433: {  	_ = 	snop;
	(pc) =	sbr.rel .LBB2_60-.Ltmp46, $2  }
0x434: {  	_ =	sdelay $0x2  }
0x435: {  	[tilespmem:s9+$0xB0E8] =	vst.add.f32.msk $0xffff, v0  }
.LBB2_56:
0x436: {  	p1 =	slt.u32 s0, $0x9C279  }
.Ltmp47:
0x437: {  	_ = 	snop;
	(pc) =	sbr.rel @p1 .LBB2_58-.Ltmp47, $1  }
0x438: {  	_ =	sdelay $0x3  }
.Ltmp48:
0x439: {  	(pc) =	sbr.rel .LBB2_59-.Ltmp48, $2  }
0x43a: {  	_ =	sdelay $0x1  }
0x43b: {  	s0 =	smul.u32 $0x700, s8;
	_ =	sdelay $0x1  }
.LBB2_61:
0x43c: {  	p1 =	slt.s32 s2, $0x1  }
.Ltmp49:
0x43d: {  	_ = 	snop;
	(pc) =	sbr.rel @p1 .LBB2_65-.Ltmp49, $3  }
0x43e: {  	_ =	sdelay $0x1  }
0x43f: {  	s0 =	simm.s32 $0x8  }
0x440: {  	[sflag:s0] =	ssyncpa.u1 $0x1;
	s0 =	simm.s32 $0x0  }
0x441: {  	s3 =	simm.s32 $0xAF18  }
0x442: {  	v0 =	vld.msk [tilespmem:s3+$0x0], $0x1;
	_ =	sdelay $0x4  }
0x443: {  	(v2sf) =	vpush v0, $0x0;
	_ =	sdelay $0xe  }
0x444: {  	s7 =	spop (v2sf)  }
0x445: {  	s2 =	sadd.s32 $0xFFFFFFFF, s2;
	p1 =	sgt.u32 s7, $0x9C278  }
0x446: {  	s3 =	simm.s32 $0xAF38;
	s4 =	sand.u32 @!p1 $0xFFFF8, s7;
	s8 =	sadd.s32 @!p1 $0x80, s7  }
0x447: {  	s5 =	sand.u32 @!p1 $0x7, s7;
	s4 =	sadd.s32 @!p1 s1, s4;
	s8 =	sand.u32 @!p1 $0x1FFFF8, s8  }
0x448: {  	[hbm4b:s4+s5] =	stream.linear.scatter @!p1 [tilespmem:s3], [sflag:$0x7], $0x80, $0x38;
	[tilespmem:$0x1A838] =	vst v63  }
0x449: {  	p2 =	sne.s32 s2, $0x0;
	s3 =	simm.s32 @!p1 $0xAFB8;
	s4 =	sadd.s32 @!p1 s1, s8  }
0x44a: {  	[hbm4b:s4+s5] =	stream.linear.scatter @!p1 [tilespmem:s3], [sflag:$0x7], $0x80, $0x38;
	[tilespmem:$0x1A838] =	vst v63  }
.Ltmp50:
0x44b: {  	s6 =	simm.s32 $0x0;
	s9 =	sadd.s32 @!p1 $0x100, s7;
	(pc) =	sbr.rel @!p2 .LBB2_64-.Ltmp50, $4  }
0x44c: {  	s6 =	simm.s32 @!p1 $0x700;
	s8 =	sand.u32 @!p1 $0x1FFFF8, s9;
	s3 =	simm.s32 @!p1 $0xB038  }
0x44d: {  	s4 =	sadd.s32 @!p1 s1, s8;
	s8 =	sadd.s32 @!p1 $0x180, s7;
	s7 =	simm.s32 @!p1 $0xB0B8  }
0x44e: {  	[hbm4b:s4+s5] =	stream.linear.scatter @!p1 [tilespmem:s3], [sflag:$0x7], $0x80, $0x38;
	[tilespmem:$0x1A838] =	vst v63  }
0x44f: {  	s8 =	sand.u32 @!p1 $0x1FFFF8, s8;
	s3 =	simm.s32 $0xAF19;
	s4 =	simm.s32 $0xB0F8  }
.LBB2_63:
0x450: {  	s2 =	sadd.s32 $0xFFFFFFFF, s2;
	s8 =	sadd.s32 @!p1 s1, s8;
	s0 =	sadd.s32 s0, s6  }
0x451: {  	[hbm4b:s8+s5] =	stream.linear.scatter @!p1 [tilespmem:s7], [sflag:$0x7], $0x40, $0x38;
	[tilespmem:$0x1A838] =	vst v63  }
0x452: {  	p2 =	sne.s32 s2, $0x0;
	s7 =	smov.u32 s4;
	v0 =	vld.msk [tilespmem:s3+$0x0], $0x1;
	_ =	sdelay $0x4  }
0x453: {  	(v2sf) =	vpush v0, $0x0;
	_ =	sdelay $0xe  }
0x454: {  	s6 =	spop (v2sf)  }
0x455: {  	s4 =	sadd.s32 $0x1C0, s4;
	s3 =	sadd.s32 $0x1, s3;
	p1 =	sgt.u32 s6, $0x9C278  }
0x456: {  	s5 =	sand.u32 @!p1 $0xFFFF8, s6;
	s8 =	sadd.s32 @!p1 $0x80, s6;
	s9 =	sadd.s32 @!p1 $0x100, s6  }
0x457: {  	s10 =	sadd.s32 @!p1 s1, s5;
	s5 =	sand.u32 @!p1 $0x7, s6;
	s8 =	sand.u32 @!p1 $0x1FFFF8, s8  }
0x458: {  	[hbm4b:s10+s5] =	stream.linear.scatter @!p1 [tilespmem:s7], [sflag:$0x7], $0x80, $0x38;
	[tilespmem:$0x1A838] =	vst v63  }
0x459: {  	s9 =	sand.u32 @!p1 $0x1FFFF8, s9;
	s10 =	sadd.s32 @!p1 $0x80, s7  }
.Ltmp51:
0x45a: {  	s8 =	sadd.s32 @!p1 s1, s8;
	s9 =	sadd.s32 @!p1 s1, s9;
	(pc) =	sbr.rel @p2 .LBB2_63-.Ltmp51, $4  }
0x45b: {  	[hbm4b:s8+s5] =	stream.linear.scatter @!p1 [tilespmem:s10], [sflag:$0x7], $0x80, $0x38;
	[tilespmem:$0x1A838] =	vst v63  }
0x45c: {  	s8 =	sadd.s32 @!p1 $0x100, s7;
	s10 =	sadd.s32 @!p1 $0x180, s6;
	s6 =	simm.s32 $0x0  }
0x45d: {  	[hbm4b:s9+s5] =	stream.linear.scatter @!p1 [tilespmem:s8], [sflag:$0x7], $0x80, $0x38;
	[tilespmem:$0x1A838] =	vst v63  }
0x45e: {  	s7 =	sadd.s32 @!p1 $0x180, s7;
	s6 =	simm.s32 @!p1 $0x700;
	s8 =	sand.u32 @!p1 $0x1FFFF8, s10  }
.LBB2_64:
0x45f: {  	s1 =	sadd.s32 @!p1 s1, s8;
	s0 =	sadd.s32 s0, s6  }
0x460: {  	[hbm4b:s1+s5] =	stream.linear.scatter @!p1 [tilespmem:s7], [sflag:$0x7], $0x40, $0x38;
	[tilespmem:$0x1A838] =	vst v63  }
0x461: {  	s0 =	sshrl.u32 s0, $0x2  }
.LBB2_65:
0x462: {  	s1 =	simm.s32 $0x7  }
0x463: {  	_ =	swait.ge [sflag:s1], s0  }
0x464: {  	s31 =	ssub.s32 $0x0, s0;
	[sflag:s1] =	ssyncset.done $0x0  }
0x465: {  	[sflag:s1] =	ssyncadd.s32 s31  }
0x466: {  	[sflag:s1] =	ssyncpa.u1 $0x1  }
.LBB2_66:
0x467: {  	_ =	sfence;
	s0 =	simm.s32 $0x1  }
0x468: {  	[sflag:s0] =	ssyncpa.u1 $0x1  }
0x469: {  	_ =	strace $0x9000004D  }
0x46a: {  	[bflag:$0x2] =	sbarrier.arrive $0xFFFF  }
0x46b: {  	s0 =	rddreg [dreg:$0x3]  }
0x46c: {  	s0 =	sadd.s32 @!p0 $0x100000, s0  }
0x46d: {  	[sflag:s0] =	ssyncadd.tile.s32 @!p0 $0x1;
	_ =	shalt  }
.Lfunc_end2:
_tile_overlayer_lowered:
.L_overlay_start_2:
0x46e: {  	(tag) =	ssettag $0x2  }
0x46f: {  	s0 =	rddreg [dreg:$0x0];
	s2 =	stileid.u32  }
0x470: {  	s1 =	rddreg [dreg:$0x1];
	p0 =	sne.s32 s2, $0x0  }
0x471: {  	s3 =	rddreg [dreg:$0x2];
	[bflag:$0x3] =	sbarrier.arrive $0xFFFF;
	s2 =	simm.s32 @!p0 $0x1C01  }
0x472: {  	[timem:s3], [sflag:s2] =	dma.local @!p0 [hbm:s0], s1  }
0x473: {  	s0 =	simm.s32 @!p0 $0x1  }
0x474: {  	_ =	swait.ge @!p0 [sflag:s0], s1  }
0x475: {  	s1 =	ssub.s32 @!p0 $0x0, s1;
	[sflag:s0] =	ssyncset.done @!p0 $0x0  }
0x476: {  	[sflag:s0] =	ssyncadd.s32 @!p0 s1  }
0x477: {  	[bflag:$0x3] =	sbarrier.arrive $0xFFFF  }
0x478: {  	_ =	shalt  }

// kernel: sparse-core-data-format-call.1.cloned.1.call-start
scs
called_computation.2_lowered:
.L_overlay_start_0:
0x0: {  	s1 =	sld [smem:$0x3FD9]  }
0x1: {  	s2 =	sld [smem:$0x3FFE];
	_ =	sdelay $0x1  }
0x2: {  	s3 =	srdreg.scid  }
0x3: {  	s0 =	sand.u32 $0x1, s3  }
0x4: {  	s17 =	sshll.u32 s0, $0xA;
	s1 =	sadd.s32 s2, s1  }
0x5: {  	s1 =	sadd.s32 s1, s17  }
0x6: {  	[smem:$0x3FB6] =	sst s1  }
0x7: {  	_ = 	snop  }
0x8: {  	(tm) =	ssettm $0x1  }
0x9: {  	s18 =	sld [smem:$0x3FFB];
	_ =	sdelay $0x3  }
0xa: {  	_ =	strace s18  }
0xb: {  	s1 =	sld [smem:$0x3FFC];
	_ =	sdelay $0x3  }
0xc: {  	_ =	strace s1  }
0xd: {  	s1 =	sld [smem:$0x3FFD];
	_ =	sdelay $0x3  }
0xe: {  	_ =	strace s1  }
0xf: {  	_ =	strace $0x8FFFFFFF  }
0x10: {  	s19 =	sld [smem:$0x3FDB];
	_ =	sdelay $0x1  }
0x11: {  	s20 =	simm.s32 $_scs_section_size  }
0x12: {  	s4 =	simm.s32 $_size__tile_overlayer_lowered;
	s5 =	simm.s32 $_tile_overlayer_lowered  }
0x13: {  	s23 =	simm.s32 $0x1BFF;
	s22 =	sshll.u32 s5, $0x1;
	s1 =	sadd.s32 s20, s19  }
0x14: {  	s6 =	simm.s32 $0x0;
	s21 =	sshll.u32 s4, $0x1;
	s4 =	sadd.s32 s22, s1  }
0x15: {  	[timem:s6], [sflag:s23] =	dma.local [hbm:s4], s21  }
0x16: {  	_ =	swait.ge [sflag:s23], s21  }
0x17: {  	s2 =	ssub.s32 $0x0, s21;
	[sflag:s23] =	ssyncset.done $0x0  }
0x18: {  	[sflag:s23] =	ssyncadd.s32 s2;
	_ =	sdelay $0x1  }
0x19: {  	s24 =	simm.s32 $0x1B8B  }
0x1a: {  	_ =	swait.ge [sflag:s24], $0x1  }
0x1b: {  	[sflag:s24] =	ssyncset.done $0x0  }
0x1c: {  	s26 =	simm.s32 $0x1B8E;
	s25 =	sld [smem:$0x3FFE];
	[sflag:s24] =	ssyncadd.s32 $0xFFFFFFFF  }
0x1d: {  	s27 =	simm.s32 $execute0_lowered;
	[smem:$0x3FD2] =	sst s26  }
0x1e: {  	s4 =	sshll.u32 s27, $0x1;
	_ =	strace $0x80000046;
	[dreg:$0x1] =	wrdreg $0xFFFFFFFF  }
0x1f: {  	s28 =	simm.s32 $_size_execute0_lowered;
	s1 =	sadd.s32 s1, s4;
	[dreg:$0x0] =	wrdreg $0x0  }
0x20: {  	s4 =	sshll.u32 s28, $0x1;
	[dreg:$0x2] =	wrdreg s1  }
0x21: {  	[dreg:$0x3] =	wrdreg s4  }
0x22: {  	[dreg:$0x4] =	wrdreg $0xC0  }
0x23: {  	_ =	task [dreg:s6], $0x5FFFF  }
0x24: {  	[dreg:$0x1] =	wrdreg $0xFFFFFFFF  }
0x25: {  	[dreg:$0x0] =	wrdreg $0x60  }
0x26: {  	[dreg:$0x2] =	wrdreg s25  }
0x27: {  	[dreg:$0x3] =	wrdreg $0x9  }
0x28: {  	_ =	task.clear_ibuf [dreg:s6], $0x4FFFF;
	_ =	strace $0x90000046  }
0x29: {  	s29 =	simm.s32 $0x9;
	_ =	strace $0x80000048  }
0x2a: {  	_ =	swait.ge [sflag:s29], $0x1  }
0x2b: {  	[sflag:s29] =	ssyncadd.s32 $0xFFFFFFFF  }
0x2c: {  	_ =	strace $0x90000048  }
0x2d: {  	_ =	sfence  }
0x2e: {  	s30 =	sld [smem:$0x0];
	_ =	sdelay $0x2  }
0x2f: {  	s31 =	sshll.u32 s3, $0xD;
	s3 =	sshrl.u32 s3, $0x2  }
0x30: {  	s2 =	sand.u32 $0x4000, s31;
	s1 =	sadd.s32 s3, s30  }
0x31: {  	s0 =	sor.u32 s2, s0;
	s1 =	sshll.u32 s1, $0x11  }
0x32: {  	s0 =	sor.u32 s1, s0  }
0x33: {  	s0 =	sadd.s32 $0x8F2B, s0  }
0x34: {  	[sflag:s0] =	ssyncadd.remote.s32 $0x1  }
0x35: {  	_ =	sfence.sel $0xFFFF  }
0x36: {  	[dreg:$0x0] =	wrdreg $0xFFFFFFFF;
	(pc) =	sbr.abs _section_cstart, $3  }
0x37: {  	[dreg:$0x1] =	wrdreg $0xFFFFFFFF  }
0x38: {  	_ =	task.clear_ibuf [dreg:s6], $0x2FFFF;
	_ =	strace $0x9FFFFFFF  }
0x39: {  	(tm) =	ssettm $0x7FFFFFFF  }
tec
execute0_lowered:
.L_overlay_start_1:
0x0: {  	(tag) =	ssettag $0x1  }
0x1: {  	s0 =	srdreg.scid  }
0x2: {  	s1 =	sshll.u32 s0, $0x4  }
0x3: {  	s4 =	rddreg [dreg:$0x0];
	s0 =	stileid.u32;
	s1 =	sand.u32 $0x10, s1  }
0x4: {  	s7 =	simm.s32 $0x1;
	s8 =	simm.s32 $0x2;
	s1 =	sor.u32 s0, s1  }
0x5: {  	s11 =	simm.s32 $0x0;
	s10 =	simm.s32 $0x0;
	s2 =	sshll.u32 s1, $0x7  }
0x6: {  	s3 =	sadd.s32 $0x1C00, s4;
	s4 =	sadd.s32 $0x4E3C00, s4;
	s6 =	ssub.s32 $0x4E200, s2  }
.Ltmp0:
0x7: {  	s1 =	rddreg [dreg:$0x1];
	s5 =	sand.u32 $0xF80, s6;
	(pc) =	sbr.rel .LBB1_1-.Ltmp0, $4  }
0x8: {  	_ =	strace $0x80000047;
	s9 =	smov.u32 s2;
	p0 =	sne.s32 s5, $0x0  }
0x9: {  	s6 =	sshrl.u32 s6, $0xC;
	s5 =	simm.s32 $0x1;
	s7 =	simm.s32 @!p0 $0x0  }
0xa: {  	[sflag:s5] =	ssyncpa.u1 $0x0;
	p0 =	por $0x0, $0x0;
	s6 =	sadd.s32 s7, s6  }
0xb: {  	[sflag:s8] =	ssyncpa.u1 $0x0;
	s8 =	simm.s32 $0x271000;
	s7 =	sadd.s32 $0x1, s6  }
.LBB1_4:
0xc: {  	s14 =	sshll.u32 s11, $0x3  }
0xd: {  	s30 =	sand.u32 $0x7F, s11;
	s14 =	sand.u32 $0xFFFFFC00, s14  }
0xe: {  	s11 =	sor.u32 s30, s14  }
0xf: {  	s15 =	smulhi.u32 $0xD1B71759, s11;
	_ =	sdelay $0x1  }
0x10: {  	s14 =	smulhi.u32 $0xD1B71759, s14;
	s15 =	sshrl.u32 s15, $0x12  }
0x11: {  	s15 =	smul.u32 $0x4E200, s15  }
0x12: {  	s14 =	sshrl.u32 s14, $0x12  }
0x13: {  	s14 =	sand.u32 $0x3F, s14;
	s11 =	ssub.s32 s11, s15  }
0x14: {  	[tilespmem:s13+$0x810 ss:$0x81] =	vst.msk $0xffff, v2;
	s14 =	smul.u32 $0x9C40, s14;
	s15 =	sshrl.u32 s11, $0x3;
	s11 =	sand.u32 $0x7, s11  }
0x15: {  	[tilespmem:s13+$0x1020 ss:$0x81] =	vst.msk $0xffff, v0;
	s15 =	sadd.s32 s4, s15;
	s11 =	sshll.u32 s11, $0x12  }
0x16: {  	[tilespmem:s13+$0x0 ss:$0x81] =	vst.msk $0xffff, v1;
	s31 =	sadd.s32 s14, s15;
	s11 =	sor.u32 $0x400, s11  }
0x17: {  	[hbm4b:s31+s11] =	stream.strided.scatter [tilespmem:s12], [sflag:$0x2], $0x2000, s8, s11, $0x20;
	[tilespmem:$0x8080] =	vst v63  }
.LBB1_5:
0x18: {  	s13 =	sadd.s32 $0x1000, s9  }
0x19: {  	p2 =	sgt.s32 s13, $0x4E1FF  }
0x1a: {  	s13 =	smov.u32 @p2 s2;
	p2 =	sne.s32 s10, s7  }
.Ltmp1:
0x1b: {  	p1 =	slt.u32 s10, $0x2;
	(pc) =	sbr.rel @!p2 .LBB1_6-.Ltmp1, $4  }
0x1c: {  	s12 =	simm.s32 @!p1 $0x2  }
0x1d: {  	s14 =	sadd.s32 $0x1, s10;
	_ =	swait.ge @!p1 [sflag:s12], $0x2000  }
0x1e: {  	s11 =	smov.u32 s9;
	p0 =	por !p0, !p0;
	[sflag:s12] =	ssyncset.done @!p1 $0x0  }
0x1f: {  	s10 =	smov.u32 s14;
	s9 =	smov.u32 s13;
	[sflag:s12] =	ssyncadd.s32 @!p1 $0xFFFFE000  }
.LBB1_1:
0x20: {  	p1 =	sge.u32 s10, s6  }
0x21: {  	s12 =	sand.u32 @!p1 $0x1FFFFFF, s9  }
0x22: {  	s13 =	smulhi.u32 @!p1 $0x1A36E2F, s12;
	_ =	sdelay $0x1  }
0x23: {  	s13 =	sshrl.u32 @!p1 s13, $0xB  }
0x24: {  	s13 =	smul.u32 @!p1 $0x4E200, s13;
	_ =	sdelay $0x1  }
0x25: {  	s31 =	sadd.s32 $0xFFFFFFFF, s10;
	s14 =	sxor.u32 @!p1 $0xFFFFFFFF, s10;
	s12 =	ssub.s32 @!p1 s12, s13  }
0x26: {  	s15 =	simm.s32 @!p1 $0x80;
	s14 =	sshll.u32 @!p1 s14, $0xD;
	s12 =	sshll.u32 @!p1 s12, $0x4  }
0x27: {  	s13 =	sand.u32 @!p1 $0x2000, s14;
	s14 =	simm.s32 @!p1 $0x40;
	s12 =	sadd.s32 @!p1 s3, s12  }
0x28: {  	[tilespmem:s13], [sflag:$0x1] =	stream.strided.gather @!p1 [hbm4b:s12+s14], $0x2000, s15, s14, $0x38;
	[tilespmem:$0x8080] =	vst v63  }
0x29: {  	p1 =	sge.u32 s31, s6  }
.Ltmp2:
0x2a: {  	_ = 	snop;
	(pc) =	sbr.rel @p1 .LBB1_5-.Ltmp2, $1  }
0x2b: {  	_ =	sdelay $0x3  }
0x2c: {  	s12 =	simm.s32 $0x1  }
0x2d: {  	_ =	swait.ge [sflag:s5], $0x2000;
	s12 =	simm.s32 @!p0 $0x0  }
0x2e: {  	[sflag:s5] =	ssyncset.done $0x0;
	s13 =	sshll.u32 s12, $0xD  }
0x2f: {  	[sflag:s5] =	ssyncadd.s32 $0xFFFFE000;
	s16 =	sor.u32 $0x20, s13  }
0x30: {  	s12 =	smul.u32 $0x8100, s12;
	v3 =	vld [tilespmem:s16+$0x10]  }
0x31: {  	s30 =	sand.u32 $0x1, s10;
	v2 =	vld [tilespmem:s16+$0xFFFFFFF0]  }
0x32: {  	s13 =	smul.u32 $0x8100, s30;
	s12 =	sshrl.u32 s12, $0x2;
	v0 =	vld [tilespmem:s16+$0x0]  }
0x33: {  	v1 =	vld [tilespmem:s16+$0xFFFFFFE0];
	s14 =	sor.u32 $0x4000, s12  }
0x34: {  	s31 =	sshrl.u32 s13, $0x2;
	s13 =	sadd.s32 $0x0, s14  }
0x35: {  	s15 =	simm.s32 $0x4;
	s16 =	sadd.s32 $0x40, s16;
	s12 =	sor.u32 $0x4000, s31;
	[tilespmem:s13+$0x1830 ss:$0x81] =	vst.msk $0xffff, v3  }
.LBB1_3:
0x36: {  	v3 =	vld [tilespmem:s16+$0x10];
	p1 =	sne.s32 s15, $0x1FC;
	[tilespmem:s13+$0x810 ss:$0x81] =	vst.msk $0xffff, v2;
	s17 =	smov.u32 s15;
	s15 =	sadd.s32 $0x4, s15  }
.Ltmp3:
0x37: {  	v2 =	vld [tilespmem:s16+$0xFFFFFFF0];
	[tilespmem:s13+$0x1020 ss:$0x81] =	vst.msk $0xffff, v0;
	(pc) =	sbr.rel @p1 .LBB1_3-.Ltmp3, $4  }
0x38: {  	v0 =	vld [tilespmem:s16+$0x0];
	[tilespmem:s13+$0x0 ss:$0x81] =	vst.msk $0xffff, v1  }
0x39: {  	s13 =	sshra.s32 s17, $0x2;
	v1 =	vld [tilespmem:s16+$0xFFFFFFE0]  }
0x3a: {  	s13 =	sadd.s32 s13, s14  }
0x3b: {  	s16 =	sadd.s32 $0x40, s16;
	[tilespmem:s13+$0x1830 ss:$0x81] =	vst.msk $0xffff, v3  }
.Ltmp4:
0x3c: {  	_ = 	snop;
	(pc) =	sbr.rel .LBB1_4-.Ltmp4, $1  }
0x3d: {  	_ =	sdelay $0x3  }
.LBB1_6:
0x3e: {  	_ =	sfence.sel $0x180000  }
0x3f: {  	s2 =	simm.s32 $0x1;
	[bflag:$0x0] =	sbarrier.arrive $0xFFFF  }
0x40: {  	s31 =	simm.s32 $0x2;
	[sflag:s2] =	ssyncpa.u1 $0x1  }
0x41: {  	[sflag:s31] =	ssyncpa.u1 $0x1  }
0x42: {  	p0 =	sne.s32 s0, $0x0;
	_ =	strace $0x90000047  }
0x43: {  	s0 =	sadd.s32 @!p0 $0x100000, s1;
	[bflag:$0x2] =	sbarrier.arrive $0xFFFF  }
0x44: {  	[sflag:s0] =	ssyncadd.tile.s32 @!p0 $0x1;
	_ =	shalt  }
.Lfunc_end1:
_tile_overlayer_lowered:
.L_overlay_start_2:
0x45: {  	(tag) =	ssettag $0x2  }
0x46: {  	s0 =	rddreg [dreg:$0x0];
	s2 =	stileid.u32  }
0x47: {  	s1 =	rddreg [dreg:$0x1];
	p0 =	sne.s32 s2, $0x0  }
0x48: {  	s3 =	rddreg [dreg:$0x2];
	[bflag:$0x3] =	sbarrier.arrive $0xFFFF;
	s2 =	simm.s32 @!p0 $0x1C01  }
0x49: {  	[timem:s3], [sflag:s2] =	dma.local @!p0 [hbm:s0], s1  }
0x4a: {  	s0 =	simm.s32 @!p0 $0x1  }
0x4b: {  	_ =	swait.ge @!p0 [sflag:s0], s1  }
0x4c: {  	s1 =	ssub.s32 @!p0 $0x0, s1;
	[sflag:s0] =	ssyncset.done @!p0 $0x0  }
0x4d: {  	[sflag:s0] =	ssyncadd.s32 @!p0 s1  }
0x4e: {  	[bflag:$0x3] =	sbarrier.arrive $0xFFFF  }
0x4f: {  	_ =	shalt  }

// kernel: sparse-core-data-format-call.cloned.1.call-start
scs
called_computation.1_lowered:
.L_overlay_start_0:
0x0: {  	s1 =	sld [smem:$0x3FD9]  }
0x1: {  	s2 =	sld [smem:$0x3FFE];
	_ =	sdelay $0x1  }
0x2: {  	s3 =	srdreg.scid  }
0x3: {  	s0 =	sand.u32 $0x1, s3  }
0x4: {  	s17 =	sshll.u32 s0, $0xA;
	s1 =	sadd.s32 s2, s1  }
0x5: {  	s1 =	sadd.s32 s1, s17  }
0x6: {  	[smem:$0x3FB6] =	sst s1  }
0x7: {  	_ = 	snop  }
0x8: {  	(tm) =	ssettm $0x1  }
0x9: {  	s18 =	sld [smem:$0x3FFB];
	_ =	sdelay $0x3  }
0xa: {  	_ =	strace s18  }
0xb: {  	s1 =	sld [smem:$0x3FFC];
	_ =	sdelay $0x3  }
0xc: {  	_ =	strace s1  }
0xd: {  	s1 =	sld [smem:$0x3FFD];
	_ =	sdelay $0x3  }
0xe: {  	_ =	strace s1  }
0xf: {  	_ =	strace $0x8FFFFFFF  }
0x10: {  	s19 =	sld [smem:$0x3FDB];
	_ =	sdelay $0x1  }
0x11: {  	s20 =	simm.s32 $_scs_section_size  }
0x12: {  	s4 =	simm.s32 $_size__tile_overlayer_lowered;
	s5 =	simm.s32 $_tile_overlayer_lowered  }
0x13: {  	s23 =	simm.s32 $0x1BFF;
	s22 =	sshll.u32 s5, $0x1;
	s1 =	sadd.s32 s20, s19  }
0x14: {  	s6 =	simm.s32 $0x0;
	s21 =	sshll.u32 s4, $0x1;
	s4 =	sadd.s32 s22, s1  }
0x15: {  	[timem:s6], [sflag:s23] =	dma.local [hbm:s4], s21  }
0x16: {  	_ =	swait.ge [sflag:s23], s21  }
0x17: {  	s2 =	ssub.s32 $0x0, s21;
	[sflag:s23] =	ssyncset.done $0x0  }
0x18: {  	[sflag:s23] =	ssyncadd.s32 s2;
	_ =	sdelay $0x1  }
0x19: {  	s24 =	simm.s32 $0x1B8B  }
0x1a: {  	_ =	swait.ge [sflag:s24], $0x1  }
0x1b: {  	[sflag:s24] =	ssyncset.done $0x0  }
0x1c: {  	s26 =	simm.s32 $0x1B8E;
	s25 =	sld [smem:$0x3FFE];
	[sflag:s24] =	ssyncadd.s32 $0xFFFFFFFF  }
0x1d: {  	s27 =	simm.s32 $execute0_lowered;
	[smem:$0x3FD2] =	sst s26  }
0x1e: {  	s4 =	sshll.u32 s27, $0x1;
	_ =	strace $0x80000049;
	[dreg:$0x1] =	wrdreg $0xFFFFFFFF  }
0x1f: {  	s28 =	simm.s32 $_size_execute0_lowered;
	s1 =	sadd.s32 s1, s4;
	[dreg:$0x0] =	wrdreg $0x0  }
0x20: {  	s4 =	sshll.u32 s28, $0x1;
	[dreg:$0x2] =	wrdreg s1  }
0x21: {  	[dreg:$0x3] =	wrdreg s4  }
0x22: {  	[dreg:$0x4] =	wrdreg $0xC0  }
0x23: {  	_ =	task [dreg:s6], $0x5FFFF  }
0x24: {  	[dreg:$0x1] =	wrdreg $0xFFFFFFFF  }
0x25: {  	[dreg:$0x0] =	wrdreg $0x60  }
0x26: {  	[dreg:$0x2] =	wrdreg s25  }
0x27: {  	[dreg:$0x3] =	wrdreg $0x9  }
0x28: {  	_ =	task.clear_ibuf [dreg:s6], $0x4FFFF;
	_ =	strace $0x90000049  }
0x29: {  	s29 =	simm.s32 $0x9;
	_ =	strace $0x8000004B  }
0x2a: {  	_ =	swait.ge [sflag:s29], $0x1  }
0x2b: {  	[sflag:s29] =	ssyncadd.s32 $0xFFFFFFFF  }
0x2c: {  	_ =	strace $0x9000004B  }
0x2d: {  	_ =	sfence  }
0x2e: {  	s30 =	sld [smem:$0x0];
	_ =	sdelay $0x2  }
0x2f: {  	s31 =	sshll.u32 s3, $0xD;
	s3 =	sshrl.u32 s3, $0x2  }
0x30: {  	s2 =	sand.u32 $0x4000, s31;
	s1 =	sadd.s32 s3, s30  }
0x31: {  	s0 =	sor.u32 s2, s0;
	s1 =	sshll.u32 s1, $0x11  }
0x32: {  	s0 =	sor.u32 s1, s0  }
0x33: {  	s0 =	sadd.s32 $0x8F2B, s0  }
0x34: {  	[sflag:s0] =	ssyncadd.remote.s32 $0x1  }
0x35: {  	_ =	sfence.sel $0xFFFF  }
0x36: {  	[dreg:$0x0] =	wrdreg $0xFFFFFFFF;
	(pc) =	sbr.abs _section_cstart, $3  }
0x37: {  	[dreg:$0x1] =	wrdreg $0xFFFFFFFF  }
0x38: {  	_ =	task.clear_ibuf [dreg:s6], $0x2FFFF;
	_ =	strace $0x9FFFFFFF  }
0x39: {  	(tm) =	ssettm $0x7FFFFFFF  }
tec
execute0_lowered:
.L_overlay_start_1:
0x0: {  	(tag) =	ssettag $0x1  }
0x1: {  	s4 =	rddreg [dreg:$0x0]  }
0x2: {  	s1 =	stileid.u32;
	s2 =	srdreg.scid  }
0x3: {  	s0 =	rddreg [dreg:$0x1];
	_ =	strace $0x8000004A;
	s5 =	simm.s32 $0x1  }
0x4: {  	s9 =	simm.s32 $0x2;
	s3 =	sshll.u32 s1, $0x5;
	s2 =	sshll.u32 s2, $0x9  }
0x5: {  	s14 =	simm.s32 $0x0;
	s13 =	simm.s32 $0x0;
	s3 =	sor.u32 s3, s2  }
0x6: {  	s12 =	simm.s32 $0x0;
	s7 =	sshll.u32 s1, $0x7;
	s3 =	sand.u32 $0x380, s3  }
0x7: {  	[sflag:s5] =	ssyncpa.u1 $0x0;
	s2 =	sadd.s32 $0x272C00, s4;
	s6 =	ssub.s32 $0x4E200, s3  }
.Ltmp0:
0x8: {  	s4 =	sadd.s32 $0x1389C00, s4;
	s8 =	sand.u32 $0x380, s6;
	(pc) =	sbr.rel .LBB1_1-.Ltmp0, $4  }
0x9: {  	[sflag:s9] =	ssyncpa.u1 $0x0;
	p0 =	sne.s32 s8, $0x0;
	s8 =	simm.s32 $0x1  }
0xa: {  	s10 =	sshrl.u32 s6, $0xA;
	s6 =	sand.u32 $0x180, s7;
	s8 =	simm.s32 @!p0 $0x0  }
0xb: {  	s9 =	simm.s32 $0x1000;
	s11 =	smov.u32 s6;
	s7 =	sadd.s32 s8, s10  }
0xc: {  	p0 =	por $0x0, $0x0;
	s10 =	smov.u32 s3;
	s8 =	sadd.s32 $0x1, s7  }
.LBB1_4:
0xd: {  	s20 =	sshll.u32 s14, $0x9;
	s21 =	sshll.u32 s13, $0x3  }
0xe: {  	v5 =	vld [tilespmem:s18+$0xFFFFFFD0];
	[tilespmem:s17+$0x2040 ss:$0x81] =	vst.msk $0xffff, v4;
	s25 =	sshll.u32 s14, $0x7;
	s20 =	sand.u32 $0xFFFFF000, s20;
	s21 =	sand.u32 $0xFFFFFC00, s21  }
0xf: {  	v58 =	vld [tilespmem:s18+$0xFFFFFFE0];
	[tilespmem:s17+$0x2850 ss:$0x81] =	vst.msk $0xffff, v3;
	s26 =	sand.u32 $0x200, s25;
	s20 =	sadd.s32 s21, s20  }
0x10: {  	s19 =	sshra.s32 s19, $0x2;
	v59 =	vld [tilespmem:s18+$0xFFFFFFF0];
	[tilespmem:s17+$0x3060 ss:$0x81] =	vst.msk $0xffff, v2;
	s20 =	sor.u32 s26, s20  }
0x11: {  	v60 =	vld [tilespmem:s18+$0x0];
	[tilespmem:s17+$0x0 ss:$0x81] =	vst.msk $0xffff, v0;
	s16 =	sadd.s32 s19, s16;
	s27 =	sshrl.u32 s20, $0x9  }
0x12: {  	v61 =	vld [tilespmem:s18+$0x10];
	[tilespmem:s16+$0x3870 ss:$0x81] =	vst.msk $0xffff, v1;
	s28 =	smulhi.u32 $0x1A36E3, s27  }
0x13: {  	v62 =	vld [tilespmem:s18+$0x20];
	[tilespmem:s16+$0x810 ss:$0x81] =	vst.msk $0xffff, v5  }
0x14: {  	v63 =	vld [tilespmem:s18+$0xFFFFFFC0];
	[tilespmem:s16+$0x1020 ss:$0x81] =	vst.msk $0xffff, v58;
	s29 =	sshrl.u32 s28, $0x7  }
0x15: {  	s30 =	sand.u32 $0x78, s13;
	s14 =	sand.u32 $0x180, s25;
	[tilespmem:s16+$0x1830 ss:$0x81] =	vst.msk $0xffff, v59;
	s18 =	smul.u32 $0x4E200, s29  }
0x16: {  	s14 =	sor.u32 s30, s14;
	[tilespmem:s16+$0x2040 ss:$0x81] =	vst.msk $0xffff, v60  }
0x17: {  	s31 =	sand.u32 $0x7, s13;
	s14 =	sshrl.u32 s14, $0x3;
	[tilespmem:s16+$0x2850 ss:$0x81] =	vst.msk $0xffff, v61;
	s17 =	ssub.s32 s27, s18  }
0x18: {  	s13 =	sshll.u32 s31, $0x12;
	s14 =	sadd.s32 s4, s14;
	[tilespmem:s16+$0x3060 ss:$0x81] =	vst.msk $0xffff, v62;
	s17 =	sshll.u32 s17, $0x6  }
0x19: {  	s13 =	sor.u32 $0x400, s13;
	[tilespmem:s16+$0x0 ss:$0x81] =	vst.msk $0xffff, v63;
	s14 =	sadd.s32 s17, s14  }
0x1a: {  	[hbm4b:s14+s13] =	stream.strided.scatter [tilespmem:s15], [sflag:$0x2], $0x4000, s9, s13, $0x20;
	[tilespmem:$0x10100] =	vst v63  }
.LBB1_5:
0x1b: {  	s15 =	sadd.s32 $0x400, s10  }
0x1c: {  	s13 =	sadd.s32 $0x200, s11;
	s17 =	smov.u32 s11;
	p2 =	sgt.s32 s15, $0x4E1FF  }
0x1d: {  	s17 =	smov.u32 @p2 s13  }
0x1e: {  	s15 =	smov.u32 @p2 s3;
	p2 =	sgt.s32 s17, $0x1BF  }
0x1f: {  	s17 =	smov.u32 @p2 s6;
	p2 =	sne.s32 s12, s8  }
.Ltmp1:
0x20: {  	p1 =	slt.u32 s12, $0x2;
	(pc) =	sbr.rel @!p2 .LBB1_6-.Ltmp1, $4  }
0x21: {  	s16 =	simm.s32 @!p1 $0x2  }
0x22: {  	s14 =	smov.u32 s10;
	p0 =	por !p0, !p0;
	_ =	swait.ge @!p1 [sflag:s16], $0x4000  }
0x23: {  	s13 =	smov.u32 s11;
	[sflag:s16] =	ssyncset.done @!p1 $0x0;
	s10 =	smov.u32 s15  }
0x24: {  	s12 =	sadd.s32 $0x1, s12;
	[sflag:s16] =	ssyncadd.s32 @!p1 $0xFFFFC000;
	s11 =	smov.u32 s17  }
.LBB1_1:
0x25: {  	p1 =	sge.u32 s12, s7  }
0x26: {  	s15 =	sshrl.u32 @!p1 s11, $0x3  }
0x27: {  	s16 =	sshll.u32 @!p1 s10, $0x3;
	s15 =	smul.u32 @!p1 $0x271000, s15  }
0x28: {  	s17 =	sshll.u32 @!p1 s11, $0x7;
	s16 =	sand.u32 @!p1 $0xFFFFFC00, s16  }
0x29: {  	s20 =	smov.u32 s10;
	s15 =	sadd.s32 @!p1 s15, s16;
	s16 =	sand.u32 @!p1 $0x380, s17  }
0x2a: {  	s31 =	sadd.s32 $0xFFFFFFFF, s12;
	s18 =	sand.u32 @!p1 $0x7F, s10;
	s15 =	sor.u32 @!p1 s16, s15  }
0x2b: {  	p2 =	sgt.s32 @!p1 s11, $0x140;
	s19 =	sshra.s32 @!p1 s11, $0x1F;
	s16 =	smulhi.u32 @!p1 $0xD1B71759, s15  }
0x2c: {  	s21 =	sshra.s32 @!p1 s10, $0x1F;
	p2 =	por !p2, p1;
	s19 =	sand.u32 @!p1 s19, s11  }
0x2d: {  	s15 =	sor.u32 @!p1 s18, s15;
	s18 =	smov.u32 s11;
	s16 =	sshrl.u32 @!p1 s16, $0x12  }
0x2e: {  	s18 =	simm.s32 @p2 $0x140;
	p2 =	sgt.s32 @!p1 s10, $0x4E180;
	s17 =	smul.u32 @!p1 $0x4925, s16  }
0x2f: {  	p2 =	por !p2, p1;
	s18 =	ssub.s32 @!p1 s18, s19;
	s19 =	sand.u32 @!p1 s21, s10  }
0x30: {  	s21 =	smulhi.u32 @!p1 $0xD1B71759, s15;
	s20 =	simm.s32 @p2 $0x4E180;
	s17 =	sshrl.u32 @!p1 s17, $0x17  }
0x31: {  	s19 =	ssub.s32 @!p1 s20, s19;
	s20 =	sadd.s32 @!p1 $0xFFFFFEC0, s18;
	s17 =	smul.u32 @!p1 $0x1C0, s17  }
0x32: {  	s18 =	ssub.s32 @!p1 $0x1C0, s18;
	p2 =	sgt.s32 @!p1 s20, $0x7F;
	s20 =	sshrl.u32 @!p1 s21, $0x12  }
0x33: {  	p2 =	por !p2, p1;
	s16 =	ssub.s32 @!p1 s16, s17;
	s17 =	sadd.s32 @!p1 $0xFFFB1E80, s19  }
0x34: {  	s20 =	smul.u32 @!p1 $0x4E200, s20;
	s18 =	simm.s32 @!p2 $0x0;
	p3 =	sgt.s32 @!p1 s17, $0x7F  }
0x35: {  	s19 =	ssub.s32 @!p1 $0x4E200, s19;
	s16 =	sand.u32 @!p1 $0xFFFF, s16;
	p3 =	por !p3, p1  }
0x36: {  	s17 =	sxor.u32 @!p1 $0xFFFFFFFF, s12;
	s16 =	smul.u32 @!p1 $0x9C40, s16;
	s19 =	simm.s32 @!p3 $0x0  }
0x37: {  	s15 =	ssub.s32 @!p1 s15, s20;
	s17 =	sshll.u32 @!p1 s17, $0xE;
	s18 =	smul.u32 @!p1 s18, s19  }
0x38: {  	s17 =	sand.u32 @!p1 $0x4000, s17;
	s19 =	sshrl.u32 @!p1 s15, $0x3;
	s15 =	sand.u32 @!p1 $0x7, s15  }
0x39: {  	s19 =	sadd.s32 @!p1 s2, s19;
	s15 =	sshll.u32 @!p1 s15, $0x12;
	s18 =	sand.u32 @!p1 $0x3FFFFFFF, s18  }
0x3a: {  	s16 =	sadd.s32 @!p1 s16, s19;
	s15 =	sor.u32 @!p1 $0x400, s15;
	s19 =	simm.s32 @!p1 $0x271000  }
0x3b: {  	[tilespmem:s17], [sflag:$0x1] =	stream.strided.gather @!p1 [hbm4b:s16+s15], s18, s19, s15, $0x38;
	[tilespmem:$0x10100] =	vst v63  }
0x3c: {  	p1 =	sge.u32 s31, s7  }
.Ltmp2:
0x3d: {  	_ = 	snop;
	(pc) =	sbr.rel @p1 .LBB1_5-.Ltmp2, $1  }
0x3e: {  	_ =	sdelay $0x3  }
0x3f: {  	p1 =	sgt.s32 s13, $0x140  }
0x40: {  	s15 =	smov.u32 s13;
	s16 =	sshra.s32 s13, $0x1F;
	s17 =	smov.u32 s14  }
0x41: {  	s18 =	sshra.s32 s14, $0x1F;
	s15 =	simm.s32 @!p1 $0x140;
	p1 =	sgt.s32 s14, $0x4E180  }
0x42: {  	s16 =	sand.u32 s16, s13;
	s26 =	sand.u32 s18, s14;
	s17 =	simm.s32 @!p1 $0x4E180  }
0x43: {  	s15 =	ssub.s32 s15, s16;
	s16 =	ssub.s32 s17, s26  }
0x44: {  	s27 =	sadd.s32 $0xFFFFFEC0, s15;
	s15 =	ssub.s32 $0x1C0, s15;
	s17 =	sadd.s32 $0xFFFB1E80, s16  }
0x45: {  	p1 =	sgt.s32 s27, $0x7F;
	s16 =	ssub.s32 $0x4E200, s16;
	p2 =	sgt.s32 s17, $0x7F  }
0x46: {  	s15 =	simm.s32 @p1 $0x0;
	s16 =	simm.s32 @p2 $0x0  }
0x47: {  	s15 =	smul.u32 s15, s16;
	_ =	sdelay $0x1  }
0x48: {  	s16 =	simm.s32 $0x1;
	s15 =	sand.u32 $0x3FFFFFFF, s15  }
0x49: {  	s16 =	simm.s32 @!p0 $0x0;
	_ =	swait.ge [sflag:s5], s15  }
0x4a: {  	s28 =	sshll.u32 s16, $0xE;
	s15 =	ssub.s32 $0x0, s15;
	[sflag:s5] =	ssyncset.done $0x0  }
0x4b: {  	s29 =	sor.u32 $0x40, s28;
	[sflag:s5] =	ssyncadd.s32 s15  }
0x4c: {  	s30 =	smul.u32 $0x10200, s16;
	v0 =	vld [tilespmem:s29+$0x30]  }
0x4d: {  	v1 =	vld [tilespmem:s29+$0xFFFFFFD0]  }
0x4e: {  	s15 =	sshrl.u32 s30, $0x2;
	v5 =	vld [tilespmem:s29+$0xFFFFFFE0]  }
0x4f: {  	s16 =	sor.u32 $0x8000, s15;
	v6 =	vld [tilespmem:s29+$0xFFFFFFF0]  }
0x50: {  	s31 =	sand.u32 $0x1, s12;
	v4 =	vld [tilespmem:s29+$0x0];
	s17 =	sadd.s32 $0x0, s16  }
0x51: {  	s15 =	smul.u32 $0x10200, s31;
	v3 =	vld [tilespmem:s29+$0x10];
	[tilespmem:s17+$0x3870 ss:$0x81] =	vst.msk $0xffff, v0  }
0x52: {  	v2 =	vld [tilespmem:s29+$0x20];
	[tilespmem:s17+$0x810 ss:$0x81] =	vst.msk $0xffff, v1  }
0x53: {  	s18 =	sadd.s32 $0x80, s29;
	s15 =	sshrl.u32 s15, $0x2;
	v0 =	vld [tilespmem:s29+$0xFFFFFFC0];
	[tilespmem:s17+$0x1020 ss:$0x81] =	vst.msk $0xffff, v5  }
0x54: {  	s19 =	simm.s32 $0x4;
	s20 =	simm.s32 $0x8;
	s15 =	sor.u32 $0x8000, s15;
	v1 =	vld [tilespmem:s18+$0x30];
	[tilespmem:s17+$0x1830 ss:$0x81] =	vst.msk $0xffff, v6  }
.LBB1_3:
0x55: {  	p1 =	sne.s32 s20, $0x1FC;
	v5 =	vld [tilespmem:s18+$0xFFFFFFD0];
	[tilespmem:s17+$0x2040 ss:$0x81] =	vst.msk $0xffff, v4  }
0x56: {  	v6 =	vld [tilespmem:s18+$0xFFFFFFE0];
	[tilespmem:s17+$0x2850 ss:$0x81] =	vst.msk $0xffff, v3  }
0x57: {  	s21 =	sshra.s32 s19, $0x2;
	s19 =	smov.u32 s20;
	v7 =	vld [tilespmem:s18+$0xFFFFFFF0];
	[tilespmem:s17+$0x3060 ss:$0x81] =	vst.msk $0xffff, v2  }
.Ltmp3:
0x58: {  	v4 =	vld [tilespmem:s18+$0x0];
	[tilespmem:s17+$0x0 ss:$0x81] =	vst.msk $0xffff, v0;
	s17 =	sadd.s32 s21, s16;
	(pc) =	sbr.rel @p1 .LBB1_3-.Ltmp3, $4  }
0x59: {  	v3 =	vld [tilespmem:s18+$0x10];
	[tilespmem:s17+$0x3870 ss:$0x81] =	vst.msk $0xffff, v1  }
0x5a: {  	[tilespmem:s17+$0x810 ss:$0x81] =	vst.msk $0xffff, v5;
	v2 =	vld [tilespmem:s18+$0x20]  }
0x5b: {  	v0 =	vld [tilespmem:s18+$0xFFFFFFC0];
	[tilespmem:s17+$0x1020 ss:$0x81] =	vst.msk $0xffff, v6;
	s18 =	sadd.s32 $0x80, s18  }
0x5c: {  	s20 =	sadd.s32 $0x4, s20;
	v1 =	vld [tilespmem:s18+$0x30];
	[tilespmem:s17+$0x1830 ss:$0x81] =	vst.msk $0xffff, v7  }
.Ltmp4:
0x5d: {  	_ = 	snop;
	(pc) =	sbr.rel .LBB1_4-.Ltmp4, $1  }
0x5e: {  	_ =	sdelay $0x3  }
.LBB1_6:
0x5f: {  	_ =	sfence.sel $0x180000  }
0x60: {  	s2 =	simm.s32 $0x1;
	[bflag:$0x0] =	sbarrier.arrive $0xFFFF  }
0x61: {  	s31 =	simm.s32 $0x2;
	[sflag:s2] =	ssyncpa.u1 $0x1  }
0x62: {  	[sflag:s31] =	ssyncpa.u1 $0x1  }
0x63: {  	p0 =	sne.s32 s1, $0x0;
	_ =	strace $0x9000004A  }
0x64: {  	s0 =	sadd.s32 @!p0 $0x100000, s0;
	[bflag:$0x2] =	sbarrier.arrive $0xFFFF  }
0x65: {  	[sflag:s0] =	ssyncadd.tile.s32 @!p0 $0x1;
	_ =	shalt  }
.Lfunc_end1:
_tile_overlayer_lowered:
.L_overlay_start_2:
0x66: {  	(tag) =	ssettag $0x2  }
0x67: {  	s0 =	rddreg [dreg:$0x0];
	s2 =	stileid.u32  }
0x68: {  	s1 =	rddreg [dreg:$0x1];
	p0 =	sne.s32 s2, $0x0  }
0x69: {  	s3 =	rddreg [dreg:$0x2];
	[bflag:$0x3] =	sbarrier.arrive $0xFFFF;
	s2 =	simm.s32 @!p0 $0x1C01  }
0x6a: {  	[timem:s3], [sflag:s2] =	dma.local @!p0 [hbm:s0], s1  }
0x6b: {  	s0 =	simm.s32 @!p0 $0x1  }
0x6c: {  	_ =	swait.ge @!p0 [sflag:s0], s1  }
0x6d: {  	s1 =	ssub.s32 @!p0 $0x0, s1;
	[sflag:s0] =	ssyncset.done @!p0 $0x0  }
0x6e: {  	[sflag:s0] =	ssyncadd.s32 @!p0 s1  }
0x6f: {  	[bflag:$0x3] =	sbarrier.arrive $0xFFFF  }
0x70: {  	_ =	shalt  }

</sc_bundles>
